<compile_context>
chip_gen: v7x
topology: tpu7x:2x2x1
jax: 0.10.2.dev20260603
libtpu: 0.0.44.dev20260713+nightly
codegen_flags: <defaults>
</compile_context>

<pallas_src>
import dataclasses
import functools

import jax
import jax.numpy as jnp
import numpy as np
from jax import lax
from jax.experimental import pallas as pl
from jax.experimental.pallas import tpu as pltpu
from jax.experimental.pallas import tpu_sc as plsc

GRID = 26
S = GRID * GRID
A = 5
B = 1024
SA = S * A


def _dense_body(pred_ref, sa_ref, lab_ref, aw_ref, ah_ref, cw_ref, ch_ref,
                out_ref, acc_ref):
    i = pl.program_id(0)
    s_obj = sa_ref[0, :]
    a_obj = sa_ref[1, :]
    s_obj_i = s_obj.astype(jnp.int32)
    a_obj_i = a_obj.astype(jnp.int32)
    srow = lax.broadcasted_iota(jnp.int32, (S, B), 0)
    m = jnp.where(
        (srow == s_obj_i[None, :]) & (a_obj_i[None, :] == i), 1.0, 0.0)
    v0 = pred_ref[0, 0]
    v1 = pred_ref[0, 1]
    v2 = pred_ref[0, 2]
    v3 = pred_ref[0, 3]
    v4 = pred_ref[0, 4]
    r0 = 1.0 / (jnp.exp(v0) + 1.0)
    r1 = 1.0 / (jnp.exp(v1) + 1.0)
    u2 = jnp.exp(v2) - 1.0
    u3 = jnp.exp(v3) - 1.0
    w4 = 1.0 - 1.0 / (jnp.exp(v4) + 1.0)
    s01 = jnp.sum((0.5 - r0) * (0.5 - r0) + (0.5 - r1) * (0.5 - r1))
    s2 = jnp.sum(u2 * u2)
    s3 = jnp.sum(u3 * u3)
    s4 = jnp.sum(w4 * w4)
    part = 1.25 * (s01 * (1.0 / float(S)) + cw_ref[i] * s2 + ch_ref[i] * s3) \
        + 0.5 * s4
    acc = jnp.where(i == 0, 0.0, out_ref[0, 0]) + part

    for c, v in enumerate((v0, v1, v2, v3, v4)):
        g = jnp.sum(v * m, axis=0)
        acc_ref[c, :] = jnp.where(i == 0, g, acc_ref[c, :] + g)

    @pl.when(i < A - 1)
    def _():
        out_ref[0, 0] = acc

    @pl.when(i == A - 1)
    def _():
        p0 = acc_ref[0, :]
        p1 = acc_ref[1, :]
        p2 = acc_ref[2, :]
        p3 = acc_ref[3, :]
        p4 = acc_ref[4, :]
        lx = lab_ref[0, :]
        ly = lab_ref[1, :]
        lw = lab_ref[2, :]
        lh = lab_ref[3, :]
        ixf = jnp.floor(s_obj * (1.0 / float(GRID)))
        iyf = s_obj - float(GRID) * ixf
        e0 = jnp.exp(p0)
        e1 = jnp.exp(p1)
        e2 = jnp.exp(p2)
        e3 = jnp.exp(p3)
        e4 = jnp.exp(p4)
        r0f = 1.0 / (e0 + 1.0)
        r1f = 1.0 / (e1 + 1.0)
        sig4 = 1.0 - 1.0 / (e4 + 1.0)
        aw_o = jnp.zeros_like(p0)
        ah_o = jnp.zeros_like(p0)
        for k in range(A):
            sel = a_obj == float(k)
            aw_o = jnp.where(sel, aw_ref[k], aw_o)
            ah_o = jnp.where(sel, ah_ref[k], ah_o)
        px = (ixf + (1.0 - r0f)) * (1.0 / float(GRID))
        py = (iyf + (1.0 - r1f)) * (1.0 / float(GRID))
        pw = aw_o * e2
        ph = ah_o * e3
        co = ((px - lx) * (px - lx) + (py - ly) * (py - ly)
              + (pw - lw) * (pw - lw) + (ph - lh) * (ph - lh))
        lx0 = jnp.maximum(lx - lw * 0.5, 0.0)
        ly0 = jnp.maximum(ly - lh * 0.5, 0.0)
        lx1 = jnp.minimum(lx + lw * 0.5, 1.0)
        ly1 = jnp.minimum(ly + lh * 0.5, 1.0)
        px0 = jnp.maximum(px - pw * 0.5, 0.0)
        py0 = jnp.maximum(py - ph * 0.5, 0.0)
        px1 = jnp.minimum(px + pw * 0.5, 1.0)
        py1 = jnp.minimum(py + ph * 0.5, 1.0)
        inter = (jnp.maximum(jnp.minimum(lx1, px1) - jnp.maximum(lx0, px0), 0.0)
                 * jnp.maximum(jnp.minimum(ly1, py1) - jnp.maximum(ly0, py0),
                               0.0))
        iou = inter / (lw * lh + pw * ph - inter)
        cf = (sig4 - iou) * (sig4 - iou)
        u0 = e0 - 1.0
        u1 = e1 - 1.0
        t0 = u0 * r0f
        t1 = u1 * r1f
        uw = aw_o * (e2 - 1.0)
        uh = ah_o * (e3 - 1.0)
        corr = (1.25 * ((t0 * t0 + t1 * t1) * (1.0 / 2704.0)
                        + uw * uw + uh * uh)
                + 0.5 * (sig4 * sig4))
        out_ref[0, 0] = (5.0 / (4.0 * B)) * jnp.sum(co) + jnp.sum(cf) / B \
            + (acc - jnp.sum(corr)) / (B * (SA - 1))


def _sc_routing(lab_t, awp, ahp):
    mesh = plsc.VectorSubcoreMesh(core_axis_name="c", subcore_axis_name="s")
    cp = pltpu.CompilerParams()
    if "needs_layout_passes" in pltpu.CompilerParams.__dataclass_fields__:
        cp = dataclasses.replace(cp, needs_layout_passes=False)

    @functools.partial(
        pl.kernel,
        mesh=mesh,
        compiler_params=cp,
        out_type=jax.ShapeDtypeStruct((2, B), jnp.float32),
        scratch_types=[
            pltpu.VMEM((4, 32), jnp.float32),
            pltpu.VMEM((16,), jnp.float32),
            pltpu.VMEM((16,), jnp.float32),
            pltpu.VMEM((2, 32), jnp.float32),
        ],
    )
    def body(lab_hbm, aw_hbm, ah_hbm, out_hbm, lab_v, aw_v, ah_v, out_v):
        wid = lax.axis_index("s") * 2 + lax.axis_index("c")
        base = wid * 32
        for c in range(4):
            pltpu.sync_copy(lab_hbm.at[c, pl.ds(base, 32)], lab_v.at[c])
        pltpu.sync_copy(aw_hbm, aw_v)
        pltpu.sync_copy(ah_hbm, ah_v)
        iota = lax.iota(jnp.int32, 16)

        for g in range(2):
            sl = pl.ds(g * 16, 16)
            lx = lab_v[0, sl]
            ly = lab_v[1, sl]
            lw = lab_v[2, sl]
            lh = lab_v[3, sl]
            ixf = (lx * float(GRID)).astype(jnp.int32)
            iyf = (ly * float(GRID)).astype(jnp.int32)
            s_obj = ixf * GRID + iyf
            awvec = aw_v[...]
            ahvec = ah_v[...]
            best_a = jnp.zeros((16,), jnp.int32)
            best_d = None
            for a in range(A):
                awa = jnp.sum(jnp.where(iota == a, awvec, 0.0))
                aha = jnp.sum(jnp.where(iota == a, ahvec, 0.0))
                d = (lw - awa) * (lw - awa) + (lh - aha) * (lh - aha)
                if best_d is None:
                    best_d = d
                else:
                    mgt = d > best_d
                    best_a = jnp.where(mgt, a, best_a)
                    best_d = jnp.where(mgt, d, best_d)
            out_v[0, sl] = s_obj.astype(jnp.float32)
            out_v[1, sl] = best_a.astype(jnp.float32)
        for k in range(2):
            pltpu.sync_copy(out_v.at[k], out_hbm.at[k, pl.ds(base, 32)])

    return body(lab_t, awp, ahp)


def kernel(pred_, label, anchors):
    pred_t = jnp.transpose(pred_, (2, 3, 1, 0))
    lab_t = label.T
    aw = anchors[:, 0]
    ah = anchors[:, 1]
    awp = jnp.concatenate([aw, jnp.zeros((11,), jnp.float32)])
    ahp = jnp.concatenate([ah, jnp.zeros((11,), jnp.float32)])

    sa = _sc_routing(lab_t, awp, ahp)

    out = pl.pallas_call(
        _dense_body,
        grid=(A,),
        in_specs=[
            pl.BlockSpec((1, A, S, B), lambda i: (i, 0, 0, 0)),
            pl.BlockSpec((2, B), lambda i: (0, 0)),
            pl.BlockSpec((4, B), lambda i: (0, 0)),
            pl.BlockSpec(memory_space=pltpu.SMEM),
            pl.BlockSpec(memory_space=pltpu.SMEM),
            pl.BlockSpec(memory_space=pltpu.SMEM),
            pl.BlockSpec(memory_space=pltpu.SMEM),
        ],
        out_specs=pl.BlockSpec(
            (1, 1), lambda i: (0, 0), memory_space=pltpu.SMEM),
        out_shape=jax.ShapeDtypeStruct((1, 1), jnp.float32),
        scratch_shapes=[pltpu.VMEM((8, B), jnp.float32)],
        compiler_params=pltpu.CompilerParams(
            dimension_semantics=("arbitrary",)),
    )(pred_t, sa, lab_t, aw, ah, aw * aw, ah * ah)
    return out.reshape(())

# --- scband reference (transcript-rebuilt; emitter-appended) ---
"""Pipeline reference for scband-yololoss-3023656976678 (READ-ONLY COPY).

The authoritative reference and input builder live on the scoring server;
editing this copy changes nothing except your own understanding.
"""

import jax, jax.numpy as jnp
import numpy as np

GRID_H = 26
GRID_W = 26
S = GRID_H * GRID_W
A = 5
B = 1024


def _iou_calc(pred, label):
    lx0 = jnp.maximum(label[:, 0] - label[:, 2] / 2, 0.0)
    ly0 = jnp.maximum(label[:, 1] - label[:, 3] / 2, 0.0)
    lx1 = jnp.minimum(label[:, 0] + label[:, 2] / 2, 1.0)
    ly1 = jnp.minimum(label[:, 1] + label[:, 3] / 2, 1.0)
    px0 = jnp.maximum(pred[:, 0] - pred[:, 2] / 2, 0.0)
    py0 = jnp.maximum(pred[:, 1] - pred[:, 3] / 2, 0.0)
    px1 = jnp.minimum(pred[:, 0] + pred[:, 2] / 2, 1.0)
    py1 = jnp.minimum(pred[:, 1] + pred[:, 3] / 2, 1.0)
    ix0 = jnp.maximum(lx0, px0)
    iy0 = jnp.maximum(ly0, py0)
    ix1 = jnp.minimum(lx1, px1)
    iy1 = jnp.minimum(ly1, py1)
    label_area = label[:, 2] * label[:, 3]
    pred_area = pred[:, 2] * pred[:, 3]
    inter = jnp.maximum(ix1 - ix0, 0.0) * jnp.maximum(iy1 - iy0, 0.0)
    return inter / (label_area + pred_area - inter)


def _yoloout(pred_, anchors):
    # Standard YOLOv2 decode; cell order is x-major to match idx = idx_x*GRID_H + idx_y.
    cx = jnp.repeat(jnp.arange(GRID_W, dtype=jnp.float32), GRID_H)
    cy = jnp.tile(jnp.arange(GRID_H, dtype=jnp.float32), GRID_W)
    x = (cx[None, :, None] + jax.nn.sigmoid(pred_[..., 0])) / GRID_W
    y = (cy[None, :, None] + jax.nn.sigmoid(pred_[..., 1])) / GRID_H
    w = anchors[None, None, :, 0] * jnp.exp(pred_[..., 2])
    h = anchors[None, None, :, 1] * jnp.exp(pred_[..., 3])
    conf = jax.nn.sigmoid(pred_[..., 4])
    return jnp.stack([x, y, w, h, conf], axis=-1)


def setup_inputs(seed: int = 0):
    key = jax.random.key(seed)
    k1, k2 = jax.random.split(key)
    pred_ = jax.random.normal(k1, (B, S, A, 5), dtype=jnp.float32)
    label = jax.random.uniform(k2, (B, 4), dtype=jnp.float32)
    anchors = jnp.array([[0.05, 0.07], [0.12, 0.18], [0.27, 0.34], [0.5, 0.55], [0.8, 0.85]], dtype=jnp.float32)
    return {"pred_": pred_, "label": label, "anchors": anchors}


def reference(pred_, label, anchors):
    l_coor_obj, l_coor_noobj, l_conf_obj, l_conf_noobj = 5.0, 5.0, 1.0, 0.5
    idx_x = jnp.floor(label[:, 0] * GRID_W)
    idx_y = jnp.floor(label[:, 1] * GRID_H)
    idx = (idx_x * GRID_H + idx_y).astype(jnp.int32)
    pred = _yoloout(pred_, anchors)
    d = ((label[:, 2:4][:, None, :] - anchors[None, :, :]) ** 2).sum(2)
    anchor_mask = jnp.argmax(d, axis=1).astype(jnp.int32)
    gx = ((jnp.repeat(jnp.arange(GRID_W, dtype=jnp.float32), GRID_H * A) + 0.5) / GRID_W).reshape(S, A)
    gy = ((jnp.repeat(jnp.tile(jnp.arange(GRID_H, dtype=jnp.float32), GRID_W), A) + 0.5) / GRID_H).reshape(S, A)
    gw = jnp.broadcast_to(anchors[None, :, 0], (S, A))
    gh = jnp.broadcast_to(anchors[None, :, 1], (S, A))
    anchors_grid = jnp.broadcast_to(jnp.stack([gx, gy, gw, gh], axis=-1)[None], (B, S, A, 4))
    pred_flat = pred.reshape(B, S * A, 5)
    obj_flat = idx * A + anchor_mask
    pred_obj = pred_flat[jnp.arange(B), obj_flat]
    mask = jnp.arange(S * A)[None, :] == obj_flat[:, None]
    order = jnp.argsort(mask.astype(jnp.int32), axis=1)  # stable: non-obj slots first, original order
    noobj_idx = order[:, : S * A - 1]
    pred_noobj = jnp.take_along_axis(pred_flat, noobj_idx[..., None], axis=1)
    ag_noobj = jnp.take_along_axis(anchors_grid.reshape(B, S * A, 4), noobj_idx[..., None], axis=1)
    mse = lambda a, b: jnp.mean((a - b) ** 2)
    coor_l_obj = mse(pred_obj[:, :4], label)
    coor_l_noobj = mse(pred_noobj[..., :4], ag_noobj)
    conf_l_obj = mse(pred_obj[:, 4], _iou_calc(pred_obj, label))
    conf_l_noobj = mse(pred_noobj[..., 4], jnp.zeros_like(pred_noobj[..., 4]))
    return coor_l_obj * l_coor_obj + coor_l_noobj * l_coor_noobj + conf_l_obj * l_conf_obj + conf_l_noobj * l_conf_noobj

if __name__ == "__main__":
    import jax
    _d = setup_inputs()
    print(jax.jit(kernel)(*tuple(_d.values())))

</pallas_src>

<mosaic_0001>
#map = affine_map<(d0, d1) -> (0, 0)>
#map1 = affine_map<(d0, d1) -> (0)>
module attributes {stable_mosaic.version = 14 : i64} {
  func.func @body(%arg0: i32, %arg1: i32, %arg2: memref<4x1024xf32, #tpu.memory_space<hbm>>, %arg3: memref<16xf32, #tpu.memory_space<hbm>>, %arg4: memref<16xf32, #tpu.memory_space<hbm>>, %arg5: memref<2x1024xf32, #tpu.memory_space<hbm>>, %arg6: memref<4x32xf32, #tpu.memory_space<vmem>>, %arg7: memref<16xf32, #tpu.memory_space<vmem>>, %arg8: memref<16xf32, #tpu.memory_space<vmem>>, %arg9: memref<2x32xf32, #tpu.memory_space<vmem>>) attributes {dimension_semantics = [#tpu.dimension_semantics<core_parallel>, #tpu.dimension_semantics<subcore_parallel>], iteration_bounds = array<i64: 2, 16>, scalar_prefetch = 0 : i64, scratch_operands = 4 : i64, tpu.core_type = #tpu.core_type<sc_vector_subcore>, window_params = [{transform_indices = #map}, {transform_indices = #map1}, {transform_indices = #map1}, {transform_indices = #map}]} {
    %mul3A = arith.constant 2 : i32
    %mul3A_0 = arith.muli %arg1, %mul3A : i32
    %add3A = arith.addi %mul3A_0, %arg0 : i32
    %mul3A_1 = arith.constant 32 : i32
    %mul3A_2 = arith.muli %add3A, %mul3A_1 : i32
    %run_scoped3A = arith.constant 0 : i32
    %run_scoped3A_3 = arith.constant 0 : i32
    "tpu.region"() ({
      %run_scoped3A_442 = tpu.sem_alloc : memref<!tpu.dma_semaphore, #tpu.memory_space<semaphore_mem>>
      %dma_start3A = arith.constant 0 : i32
      %dma_start3A_443 = tpu.memref_slice %arg6[%run_scoped3A_3, %dma_start3A] : memref<4x32xf32, #tpu.memory_space<vmem>> -> memref<1x32xf32, #tpu.memory_space<vmem>>
      %dma_start3A_444 = tpu.memref_squeeze %dma_start3A_443 : memref<1x32xf32, #tpu.memory_space<vmem>> -> memref<32xf32, #tpu.memory_space<vmem>>
      %dma_start3A_445 = tpu.memref_slice %arg2[%run_scoped3A, %mul3A_2] : memref<4x1024xf32, #tpu.memory_space<hbm>> -> memref<1x32xf32, #tpu.memory_space<hbm>>
      %dma_start3A_446 = tpu.memref_squeeze %dma_start3A_445 : memref<1x32xf32, #tpu.memory_space<hbm>> -> memref<32xf32, #tpu.memory_space<hbm>>
      %dma_start3A_447 = arith.constant 0 : i32
      %dma_start3A_448 = tpu.memref_slice %arg6[%run_scoped3A_3, %dma_start3A_447] : memref<4x32xf32, #tpu.memory_space<vmem>> -> memref<1x32xf32, #tpu.memory_space<vmem>>
      %dma_start3A_449 = tpu.memref_squeeze %dma_start3A_448 : memref<1x32xf32, #tpu.memory_space<vmem>> -> memref<32xf32, #tpu.memory_space<vmem>>
      %dma_start3A_450 = tpu.memref_slice %arg2[%run_scoped3A, %mul3A_2] : memref<4x1024xf32, #tpu.memory_space<hbm>> -> memref<1x32xf32, #tpu.memory_space<hbm>>
      %dma_start3A_451 = tpu.memref_squeeze %dma_start3A_450 : memref<1x32xf32, #tpu.memory_space<hbm>> -> memref<32xf32, #tpu.memory_space<hbm>>
      tpu.enqueue_dma source(%dma_start3A_451 : memref<32xf32, #tpu.memory_space<hbm>>) target(%dma_start3A_449 : memref<32xf32, #tpu.memory_space<vmem>>) target_semaphore(%run_scoped3A_442 : memref<!tpu.dma_semaphore, #tpu.memory_space<semaphore_mem>>)
      %dma_wait3A = arith.constant 0 : i32
      %dma_wait3A_452 = tpu.memref_slice %arg6[%run_scoped3A_3, %dma_wait3A] : memref<4x32xf32, #tpu.memory_space<vmem>> -> memref<1x32xf32, #tpu.memory_space<vmem>>
      %dma_wait3A_453 = tpu.memref_squeeze %dma_wait3A_452 : memref<1x32xf32, #tpu.memory_space<vmem>> -> memref<32xf32, #tpu.memory_space<vmem>>
      %dma_wait3A_454 = tpu.memref_slice %arg2[%run_scoped3A, %mul3A_2] : memref<4x1024xf32, #tpu.memory_space<hbm>> -> memref<1x32xf32, #tpu.memory_space<hbm>>
      %dma_wait3A_455 = tpu.memref_squeeze %dma_wait3A_454 : memref<1x32xf32, #tpu.memory_space<hbm>> -> memref<32xf32, #tpu.memory_space<hbm>>
      %dma_wait3A_456 = arith.constant 0 : i32
      %dma_wait3A_457 = tpu.memref_slice %arg6[%run_scoped3A_3, %dma_wait3A_456] : memref<4x32xf32, #tpu.memory_space<vmem>> -> memref<1x32xf32, #tpu.memory_space<vmem>>
      %dma_wait3A_458 = tpu.memref_squeeze %dma_wait3A_457 : memref<1x32xf32, #tpu.memory_space<vmem>> -> memref<32xf32, #tpu.memory_space<vmem>>
      %dma_wait3A_459 = tpu.memref_slice %arg2[%run_scoped3A, %mul3A_2] : memref<4x1024xf32, #tpu.memory_space<hbm>> -> memref<1x32xf32, #tpu.memory_space<hbm>>
      %dma_wait3A_460 = tpu.memref_squeeze %dma_wait3A_459 : memref<1x32xf32, #tpu.memory_space<hbm>> -> memref<32xf32, #tpu.memory_space<hbm>>
      tpu.wait_dma2 semaphore(%run_scoped3A_442 : memref<!tpu.dma_semaphore, #tpu.memory_space<semaphore_mem>>) src(%dma_wait3A_460 : memref<32xf32, #tpu.memory_space<hbm>>) dst(%dma_wait3A_458 : memref<32xf32, #tpu.memory_space<vmem>>)
      tpu.yield
    }) : () -> ()
    %run_scoped3A_4 = arith.constant 1 : i32
    %run_scoped3A_5 = arith.constant 1 : i32
    "tpu.region"() ({
      %run_scoped3A_442 = tpu.sem_alloc : memref<!tpu.dma_semaphore, #tpu.memory_space<semaphore_mem>>
      %dma_start3A = arith.constant 0 : i32
      %dma_start3A_443 = tpu.memref_slice %arg6[%run_scoped3A_5, %dma_start3A] : memref<4x32xf32, #tpu.memory_space<vmem>> -> memref<1x32xf32, #tpu.memory_space<vmem>>
      %dma_start3A_444 = tpu.memref_squeeze %dma_start3A_443 : memref<1x32xf32, #tpu.memory_space<vmem>> -> memref<32xf32, #tpu.memory_space<vmem>>
      %dma_start3A_445 = tpu.memref_slice %arg2[%run_scoped3A_4, %mul3A_2] : memref<4x1024xf32, #tpu.memory_space<hbm>> -> memref<1x32xf32, #tpu.memory_space<hbm>>
      %dma_start3A_446 = tpu.memref_squeeze %dma_start3A_445 : memref<1x32xf32, #tpu.memory_space<hbm>> -> memref<32xf32, #tpu.memory_space<hbm>>
      %dma_start3A_447 = arith.constant 0 : i32
      %dma_start3A_448 = tpu.memref_slice %arg6[%run_scoped3A_5, %dma_start3A_447] : memref<4x32xf32, #tpu.memory_space<vmem>> -> memref<1x32xf32, #tpu.memory_space<vmem>>
      %dma_start3A_449 = tpu.memref_squeeze %dma_start3A_448 : memref<1x32xf32, #tpu.memory_space<vmem>> -> memref<32xf32, #tpu.memory_space<vmem>>
      %dma_start3A_450 = tpu.memref_slice %arg2[%run_scoped3A_4, %mul3A_2] : memref<4x1024xf32, #tpu.memory_space<hbm>> -> memref<1x32xf32, #tpu.memory_space<hbm>>
      %dma_start3A_451 = tpu.memref_squeeze %dma_start3A_450 : memref<1x32xf32, #tpu.memory_space<hbm>> -> memref<32xf32, #tpu.memory_space<hbm>>
      tpu.enqueue_dma source(%dma_start3A_451 : memref<32xf32, #tpu.memory_space<hbm>>) target(%dma_start3A_449 : memref<32xf32, #tpu.memory_space<vmem>>) target_semaphore(%run_scoped3A_442 : memref<!tpu.dma_semaphore, #tpu.memory_space<semaphore_mem>>)
      %dma_wait3A = arith.constant 0 : i32
      %dma_wait3A_452 = tpu.memref_slice %arg6[%run_scoped3A_5, %dma_wait3A] : memref<4x32xf32, #tpu.memory_space<vmem>> -> memref<1x32xf32, #tpu.memory_space<vmem>>
      %dma_wait3A_453 = tpu.memref_squeeze %dma_wait3A_452 : memref<1x32xf32, #tpu.memory_space<vmem>> -> memref<32xf32, #tpu.memory_space<vmem>>
      %dma_wait3A_454 = tpu.memref_slice %arg2[%run_scoped3A_4, %mul3A_2] : memref<4x1024xf32, #tpu.memory_space<hbm>> -> memref<1x32xf32, #tpu.memory_space<hbm>>
      %dma_wait3A_455 = tpu.memref_squeeze %dma_wait3A_454 : memref<1x32xf32, #tpu.memory_space<hbm>> -> memref<32xf32, #tpu.memory_space<hbm>>
      %dma_wait3A_456 = arith.constant 0 : i32
      %dma_wait3A_457 = tpu.memref_slice %arg6[%run_scoped3A_5, %dma_wait3A_456] : memref<4x32xf32, #tpu.memory_space<vmem>> -> memref<1x32xf32, #tpu.memory_space<vmem>>
      %dma_wait3A_458 = tpu.memref_squeeze %dma_wait3A_457 : memref<1x32xf32, #tpu.memory_space<vmem>> -> memref<32xf32, #tpu.memory_space<vmem>>
      %dma_wait3A_459 = tpu.memref_slice %arg2[%run_scoped3A_4, %mul3A_2] : memref<4x1024xf32, #tpu.memory_space<hbm>> -> memref<1x32xf32, #tpu.memory_space<hbm>>
      %dma_wait3A_460 = tpu.memref_squeeze %dma_wait3A_459 : memref<1x32xf32, #tpu.memory_space<hbm>> -> memref<32xf32, #tpu.memory_space<hbm>>
      tpu.wait_dma2 semaphore(%run_scoped3A_442 : memref<!tpu.dma_semaphore, #tpu.memory_space<semaphore_mem>>) src(%dma_wait3A_460 : memref<32xf32, #tpu.memory_space<hbm>>) dst(%dma_wait3A_458 : memref<32xf32, #tpu.memory_space<vmem>>)
      tpu.yield
    }) : () -> ()
    %run_scoped3A_6 = arith.constant 2 : i32
    %run_scoped3A_7 = arith.constant 2 : i32
    "tpu.region"() ({
      %run_scoped3A_442 = tpu.sem_alloc : memref<!tpu.dma_semaphore, #tpu.memory_space<semaphore_mem>>
      %dma_start3A = arith.constant 0 : i32
      %dma_start3A_443 = tpu.memref_slice %arg6[%run_scoped3A_7, %dma_start3A] : memref<4x32xf32, #tpu.memory_space<vmem>> -> memref<1x32xf32, #tpu.memory_space<vmem>>
      %dma_start3A_444 = tpu.memref_squeeze %dma_start3A_443 : memref<1x32xf32, #tpu.memory_space<vmem>> -> memref<32xf32, #tpu.memory_space<vmem>>
      %dma_start3A_445 = tpu.memref_slice %arg2[%run_scoped3A_6, %mul3A_2] : memref<4x1024xf32, #tpu.memory_space<hbm>> -> memref<1x32xf32, #tpu.memory_space<hbm>>
      %dma_start3A_446 = tpu.memref_squeeze %dma_start3A_445 : memref<1x32xf32, #tpu.memory_space<hbm>> -> memref<32xf32, #tpu.memory_space<hbm>>
      %dma_start3A_447 = arith.constant 0 : i32
      %dma_start3A_448 = tpu.memref_slice %arg6[%run_scoped3A_7, %dma_start3A_447] : memref<4x32xf32, #tpu.memory_space<vmem>> -> memref<1x32xf32, #tpu.memory_space<vmem>>
      %dma_start3A_449 = tpu.memref_squeeze %dma_start3A_448 : memref<1x32xf32, #tpu.memory_space<vmem>> -> memref<32xf32, #tpu.memory_space<vmem>>
      %dma_start3A_450 = tpu.memref_slice %arg2[%run_scoped3A_6, %mul3A_2] : memref<4x1024xf32, #tpu.memory_space<hbm>> -> memref<1x32xf32, #tpu.memory_space<hbm>>
      %dma_start3A_451 = tpu.memref_squeeze %dma_start3A_450 : memref<1x32xf32, #tpu.memory_space<hbm>> -> memref<32xf32, #tpu.memory_space<hbm>>
      tpu.enqueue_dma source(%dma_start3A_451 : memref<32xf32, #tpu.memory_space<hbm>>) target(%dma_start3A_449 : memref<32xf32, #tpu.memory_space<vmem>>) target_semaphore(%run_scoped3A_442 : memref<!tpu.dma_semaphore, #tpu.memory_space<semaphore_mem>>)
      %dma_wait3A = arith.constant 0 : i32
      %dma_wait3A_452 = tpu.memref_slice %arg6[%run_scoped3A_7, %dma_wait3A] : memref<4x32xf32, #tpu.memory_space<vmem>> -> memref<1x32xf32, #tpu.memory_space<vmem>>
      %dma_wait3A_453 = tpu.memref_squeeze %dma_wait3A_452 : memref<1x32xf32, #tpu.memory_space<vmem>> -> memref<32xf32, #tpu.memory_space<vmem>>
      %dma_wait3A_454 = tpu.memref_slice %arg2[%run_scoped3A_6, %mul3A_2] : memref<4x1024xf32, #tpu.memory_space<hbm>> -> memref<1x32xf32, #tpu.memory_space<hbm>>
      %dma_wait3A_455 = tpu.memref_squeeze %dma_wait3A_454 : memref<1x32xf32, #tpu.memory_space<hbm>> -> memref<32xf32, #tpu.memory_space<hbm>>
      %dma_wait3A_456 = arith.constant 0 : i32
      %dma_wait3A_457 = tpu.memref_slice %arg6[%run_scoped3A_7, %dma_wait3A_456] : memref<4x32xf32, #tpu.memory_space<vmem>> -> memref<1x32xf32, #tpu.memory_space<vmem>>
      %dma_wait3A_458 = tpu.memref_squeeze %dma_wait3A_457 : memref<1x32xf32, #tpu.memory_space<vmem>> -> memref<32xf32, #tpu.memory_space<vmem>>
      %dma_wait3A_459 = tpu.memref_slice %arg2[%run_scoped3A_6, %mul3A_2] : memref<4x1024xf32, #tpu.memory_space<hbm>> -> memref<1x32xf32, #tpu.memory_space<hbm>>
      %dma_wait3A_460 = tpu.memref_squeeze %dma_wait3A_459 : memref<1x32xf32, #tpu.memory_space<hbm>> -> memref<32xf32, #tpu.memory_space<hbm>>
      tpu.wait_dma2 semaphore(%run_scoped3A_442 : memref<!tpu.dma_semaphore, #tpu.memory_space<semaphore_mem>>) src(%dma_wait3A_460 : memref<32xf32, #tpu.memory_space<hbm>>) dst(%dma_wait3A_458 : memref<32xf32, #tpu.memory_space<vmem>>)
      tpu.yield
    }) : () -> ()
    %run_scoped3A_8 = arith.constant 3 : i32
    %run_scoped3A_9 = arith.constant 3 : i32
    "tpu.region"() ({
      %run_scoped3A_442 = tpu.sem_alloc : memref<!tpu.dma_semaphore, #tpu.memory_space<semaphore_mem>>
      %dma_start3A = arith.constant 0 : i32
      %dma_start3A_443 = tpu.memref_slice %arg6[%run_scoped3A_9, %dma_start3A] : memref<4x32xf32, #tpu.memory_space<vmem>> -> memref<1x32xf32, #tpu.memory_space<vmem>>
      %dma_start3A_444 = tpu.memref_squeeze %dma_start3A_443 : memref<1x32xf32, #tpu.memory_space<vmem>> -> memref<32xf32, #tpu.memory_space<vmem>>
      %dma_start3A_445 = tpu.memref_slice %arg2[%run_scoped3A_8, %mul3A_2] : memref<4x1024xf32, #tpu.memory_space<hbm>> -> memref<1x32xf32, #tpu.memory_space<hbm>>
      %dma_start3A_446 = tpu.memref_squeeze %dma_start3A_445 : memref<1x32xf32, #tpu.memory_space<hbm>> -> memref<32xf32, #tpu.memory_space<hbm>>
      %dma_start3A_447 = arith.constant 0 : i32
      %dma_start3A_448 = tpu.memref_slice %arg6[%run_scoped3A_9, %dma_start3A_447] : memref<4x32xf32, #tpu.memory_space<vmem>> -> memref<1x32xf32, #tpu.memory_space<vmem>>
      %dma_start3A_449 = tpu.memref_squeeze %dma_start3A_448 : memref<1x32xf32, #tpu.memory_space<vmem>> -> memref<32xf32, #tpu.memory_space<vmem>>
      %dma_start3A_450 = tpu.memref_slice %arg2[%run_scoped3A_8, %mul3A_2] : memref<4x1024xf32, #tpu.memory_space<hbm>> -> memref<1x32xf32, #tpu.memory_space<hbm>>
      %dma_start3A_451 = tpu.memref_squeeze %dma_start3A_450 : memref<1x32xf32, #tpu.memory_space<hbm>> -> memref<32xf32, #tpu.memory_space<hbm>>
      tpu.enqueue_dma source(%dma_start3A_451 : memref<32xf32, #tpu.memory_space<hbm>>) target(%dma_start3A_449 : memref<32xf32, #tpu.memory_space<vmem>>) target_semaphore(%run_scoped3A_442 : memref<!tpu.dma_semaphore, #tpu.memory_space<semaphore_mem>>)
      %dma_wait3A = arith.constant 0 : i32
      %dma_wait3A_452 = tpu.memref_slice %arg6[%run_scoped3A_9, %dma_wait3A] : memref<4x32xf32, #tpu.memory_space<vmem>> -> memref<1x32xf32, #tpu.memory_space<vmem>>
      %dma_wait3A_453 = tpu.memref_squeeze %dma_wait3A_452 : memref<1x32xf32, #tpu.memory_space<vmem>> -> memref<32xf32, #tpu.memory_space<vmem>>
      %dma_wait3A_454 = tpu.memref_slice %arg2[%run_scoped3A_8, %mul3A_2] : memref<4x1024xf32, #tpu.memory_space<hbm>> -> memref<1x32xf32, #tpu.memory_space<hbm>>
      %dma_wait3A_455 = tpu.memref_squeeze %dma_wait3A_454 : memref<1x32xf32, #tpu.memory_space<hbm>> -> memref<32xf32, #tpu.memory_space<hbm>>
      %dma_wait3A_456 = arith.constant 0 : i32
      %dma_wait3A_457 = tpu.memref_slice %arg6[%run_scoped3A_9, %dma_wait3A_456] : memref<4x32xf32, #tpu.memory_space<vmem>> -> memref<1x32xf32, #tpu.memory_space<vmem>>
      %dma_wait3A_458 = tpu.memref_squeeze %dma_wait3A_457 : memref<1x32xf32, #tpu.memory_space<vmem>> -> memref<32xf32, #tpu.memory_space<vmem>>
      %dma_wait3A_459 = tpu.memref_slice %arg2[%run_scoped3A_8, %mul3A_2] : memref<4x1024xf32, #tpu.memory_space<hbm>> -> memref<1x32xf32, #tpu.memory_space<hbm>>
      %dma_wait3A_460 = tpu.memref_squeeze %dma_wait3A_459 : memref<1x32xf32, #tpu.memory_space<hbm>> -> memref<32xf32, #tpu.memory_space<hbm>>
      tpu.wait_dma2 semaphore(%run_scoped3A_442 : memref<!tpu.dma_semaphore, #tpu.memory_space<semaphore_mem>>) src(%dma_wait3A_460 : memref<32xf32, #tpu.memory_space<hbm>>) dst(%dma_wait3A_458 : memref<32xf32, #tpu.memory_space<vmem>>)
      tpu.yield
    }) : () -> ()
    "tpu.region"() ({
      %run_scoped3A_442 = tpu.sem_alloc : memref<!tpu.dma_semaphore, #tpu.memory_space<semaphore_mem>>
      tpu.enqueue_dma source(%arg3 : memref<16xf32, #tpu.memory_space<hbm>>) target(%arg7 : memref<16xf32, #tpu.memory_space<vmem>>) target_semaphore(%run_scoped3A_442 : memref<!tpu.dma_semaphore, #tpu.memory_space<semaphore_mem>>)
      tpu.wait_dma2 semaphore(%run_scoped3A_442 : memref<!tpu.dma_semaphore, #tpu.memory_space<semaphore_mem>>) src(%arg3 : memref<16xf32, #tpu.memory_space<hbm>>) dst(%arg7 : memref<16xf32, #tpu.memory_space<vmem>>)
      tpu.yield
    }) : () -> ()
    "tpu.region"() ({
      %run_scoped3A_442 = tpu.sem_alloc : memref<!tpu.dma_semaphore, #tpu.memory_space<semaphore_mem>>
      tpu.enqueue_dma source(%arg4 : memref<16xf32, #tpu.memory_space<hbm>>) target(%arg8 : memref<16xf32, #tpu.memory_space<vmem>>) target_semaphore(%run_scoped3A_442 : memref<!tpu.dma_semaphore, #tpu.memory_space<semaphore_mem>>)
      tpu.wait_dma2 semaphore(%run_scoped3A_442 : memref<!tpu.dma_semaphore, #tpu.memory_space<semaphore_mem>>) src(%arg4 : memref<16xf32, #tpu.memory_space<hbm>>) dst(%arg8 : memref<16xf32, #tpu.memory_space<vmem>>)
      tpu.yield
    }) : () -> ()
    %iota3A = tpu.iota {dimensions = array<i32: 0>} : vector<16xi32>
    %get3A = arith.constant 0 : i32
    %get3A_10 = arith.index_cast %get3A : i32 to index
    %get3A_11 = arith.constant 0 : index
    %get3A_12 = tpu.vector_load %arg6[%get3A_10, %get3A_11] {strides = array<i32>} : memref<4x32xf32, #tpu.memory_space<vmem>>, vector<16xf32>,
    %get3A_13 = arith.constant 1 : i32
    %get3A_14 = arith.index_cast %get3A_13 : i32 to index
    %get3A_15 = arith.constant 0 : index
    %get3A_16 = tpu.vector_load %arg6[%get3A_14, %get3A_15] {strides = array<i32>} : memref<4x32xf32, #tpu.memory_space<vmem>>, vector<16xf32>,
    %get3A_17 = arith.constant 2 : i32
    %get3A_18 = arith.index_cast %get3A_17 : i32 to index
    %get3A_19 = arith.constant 0 : index
    %get3A_20 = tpu.vector_load %arg6[%get3A_18, %get3A_19] {strides = array<i32>} : memref<4x32xf32, #tpu.memory_space<vmem>>, vector<16xf32>,
    %get3A_21 = arith.constant 3 : i32
    %get3A_22 = arith.index_cast %get3A_21 : i32 to index
    %get3A_23 = arith.constant 0 : index
    %get3A_24 = tpu.vector_load %arg6[%get3A_22, %get3A_23] {strides = array<i32>} : memref<4x32xf32, #tpu.memory_space<vmem>>, vector<16xf32>,
    %mul3A_25 = arith.constant 2.600000e+01 : f32
    %mul3A_26 = vector.broadcast %mul3A_25 : f32 to vector<16xf32>
    %mul3A_27 = arith.mulf %get3A_12, %mul3A_26 : vector<16xf32>
    %convert_element_type3A = arith.fptosi %mul3A_27 : vector<16xf32> to vector<16xi32>
    %mul3A_28 = arith.constant 2.600000e+01 : f32
    %mul3A_29 = vector.broadcast %mul3A_28 : f32 to vector<16xf32>
    %mul3A_30 = arith.mulf %get3A_16, %mul3A_29 : vector<16xf32>
    %convert_element_type3A_31 = arith.fptosi %mul3A_30 : vector<16xf32> to vector<16xi32>
    %mul3A_32 = arith.constant 26 : i32
    %mul3A_33 = vector.broadcast %mul3A_32 : i32 to vector<16xi32>
    %mul3A_34 = arith.muli %convert_element_type3A, %mul3A_33 : vector<16xi32>
    %add3A_35 = arith.addi %mul3A_34, %convert_element_type3A_31 : vector<16xi32>
    %get3A_36 = arith.constant 0 : index
    %get3A_37 = tpu.vector_load %arg7[%get3A_36] {strides = array<i32>} : memref<16xf32, #tpu.memory_space<vmem>>, vector<16xf32>,
    %get3A_38 = arith.constant 0 : index
    %get3A_39 = tpu.vector_load %arg8[%get3A_38] {strides = array<i32>} : memref<16xf32, #tpu.memory_space<vmem>>, vector<16xf32>,
    %broadcast_in_dim3A = arith.constant 0 : i32
    %broadcast_in_dim3A_40 = vector.broadcast %broadcast_in_dim3A : i32 to vector<16xi32>
    %eq3A = arith.constant 0 : i32
    %eq3A_41 = vector.broadcast %eq3A : i32 to vector<16xi32>
    %eq3A_42 = arith.cmpi eq, %iota3A, %eq3A_41 : vector<16xi32>
    %jit3A = arith.constant 0.000000e+00 : f32
    %broadcast_in_dim3A_43 = vector.broadcast %jit3A : f32 to vector<16xf32>
    %select_n3A = arith.select %eq3A_42, %get3A_37, %broadcast_in_dim3A_43 : vector<16xi1>, vector<16xf32>
    %reduce_sum3A = arith.constant true
    %reduce_sum3A_44 = vector.broadcast %reduce_sum3A : i1 to vector<16xi1>
    %reduce_sum3A_45 = tpu.scan <sum>, %select_n3A masked %reduce_sum3A_44 : vector<16xf32>, vector<16xi1> -> vector<16xf32>
    %reduce_sum3A_46 = vector.extract %reduce_sum3A_45[15] : f32 from vector<16xf32>
    %eq3A_47 = arith.constant 0 : i32
    %eq3A_48 = vector.broadcast %eq3A_47 : i32 to vector<16xi32>
    %eq3A_49 = arith.cmpi eq, %iota3A, %eq3A_48 : vector<16xi32>
    %jit3A_50 = arith.constant 0.000000e+00 : f32
    %broadcast_in_dim3A_51 = vector.broadcast %jit3A_50 : f32 to vector<16xf32>
    %select_n3A_52 = arith.select %eq3A_49, %get3A_39, %broadcast_in_dim3A_51 : vector<16xi1>, vector<16xf32>
    %reduce_sum3A_53 = arith.constant true
    %reduce_sum3A_54 = vector.broadcast %reduce_sum3A_53 : i1 to vector<16xi1>
    %reduce_sum3A_55 = tpu.scan <sum>, %select_n3A_52 masked %reduce_sum3A_54 : vector<16xf32>, vector<16xi1> -> vector<16xf32>
    %reduce_sum3A_56 = vector.extract %reduce_sum3A_55[15] : f32 from vector<16xf32>
    %sub3A = vector.broadcast %reduce_sum3A_46 : f32 to vector<16xf32>
    %sub3A_57 = arith.subf %get3A_20, %sub3A : vector<16xf32>
    %sub3A_58 = vector.broadcast %reduce_sum3A_46 : f32 to vector<16xf32>
    %sub3A_59 = arith.subf %get3A_20, %sub3A_58 : vector<16xf32>
    %mul3A_60 = arith.mulf %sub3A_57, %sub3A_59 : vector<16xf32>
    %sub3A_61 = vector.broadcast %reduce_sum3A_56 : f32 to vector<16xf32>
    %sub3A_62 = arith.subf %get3A_24, %sub3A_61 : vector<16xf32>
    %sub3A_63 = vector.broadcast %reduce_sum3A_56 : f32 to vector<16xf32>
    %sub3A_64 = arith.subf %get3A_24, %sub3A_63 : vector<16xf32>
    %mul3A_65 = arith.mulf %sub3A_62, %sub3A_64 : vector<16xf32>
    %add3A_66 = arith.addf %mul3A_60, %mul3A_65 : vector<16xf32>
    %eq3A_67 = arith.constant 1 : i32
    %eq3A_68 = vector.broadcast %eq3A_67 : i32 to vector<16xi32>
    %eq3A_69 = arith.cmpi eq, %iota3A, %eq3A_68 : vector<16xi32>
    %jit3A_70 = arith.constant 0.000000e+00 : f32
    %broadcast_in_dim3A_71 = vector.broadcast %jit3A_70 : f32 to vector<16xf32>
    %select_n3A_72 = arith.select %eq3A_69, %get3A_37, %broadcast_in_dim3A_71 : vector<16xi1>, vector<16xf32>
    %reduce_sum3A_73 = arith.constant true
    %reduce_sum3A_74 = vector.broadcast %reduce_sum3A_73 : i1 to vector<16xi1>
    %reduce_sum3A_75 = tpu.scan <sum>, %select_n3A_72 masked %reduce_sum3A_74 : vector<16xf32>, vector<16xi1> -> vector<16xf32>
    %reduce_sum3A_76 = vector.extract %reduce_sum3A_75[15] : f32 from vector<16xf32>
    %eq3A_77 = arith.constant 1 : i32
    %eq3A_78 = vector.broadcast %eq3A_77 : i32 to vector<16xi32>
    %eq3A_79 = arith.cmpi eq, %iota3A, %eq3A_78 : vector<16xi32>
    %jit3A_80 = arith.constant 0.000000e+00 : f32
    %broadcast_in_dim3A_81 = vector.broadcast %jit3A_80 : f32 to vector<16xf32>
    %select_n3A_82 = arith.select %eq3A_79, %get3A_39, %broadcast_in_dim3A_81 : vector<16xi1>, vector<16xf32>
    %reduce_sum3A_83 = arith.constant true
    %reduce_sum3A_84 = vector.broadcast %reduce_sum3A_83 : i1 to vector<16xi1>
    %reduce_sum3A_85 = tpu.scan <sum>, %select_n3A_82 masked %reduce_sum3A_84 : vector<16xf32>, vector<16xi1> -> vector<16xf32>
    %reduce_sum3A_86 = vector.extract %reduce_sum3A_85[15] : f32 from vector<16xf32>
    %sub3A_87 = vector.broadcast %reduce_sum3A_76 : f32 to vector<16xf32>
    %sub3A_88 = arith.subf %get3A_20, %sub3A_87 : vector<16xf32>
    %sub3A_89 = vector.broadcast %reduce_sum3A_76 : f32 to vector<16xf32>
    %sub3A_90 = arith.subf %get3A_20, %sub3A_89 : vector<16xf32>
    %mul3A_91 = arith.mulf %sub3A_88, %sub3A_90 : vector<16xf32>
    %sub3A_92 = vector.broadcast %reduce_sum3A_86 : f32 to vector<16xf32>
    %sub3A_93 = arith.subf %get3A_24, %sub3A_92 : vector<16xf32>
    %sub3A_94 = vector.broadcast %reduce_sum3A_86 : f32 to vector<16xf32>
    %sub3A_95 = arith.subf %get3A_24, %sub3A_94 : vector<16xf32>
    %mul3A_96 = arith.mulf %sub3A_93, %sub3A_95 : vector<16xf32>
    %add3A_97 = arith.addf %mul3A_91, %mul3A_96 : vector<16xf32>
    %gt3A = arith.cmpf ogt, %add3A_97, %add3A_66 : vector<16xf32>
    %jit3A_98 = arith.constant 1 : i32
    %broadcast_in_dim3A_99 = vector.broadcast %jit3A_98 : i32 to vector<16xi32>
    %select_n3A_100 = arith.select %gt3A, %broadcast_in_dim3A_99, %broadcast_in_dim3A_40 : vector<16xi1>, vector<16xi32>
    %select_n3A_101 = arith.select %gt3A, %add3A_97, %add3A_66 : vector<16xi1>, vector<16xf32>
    %eq3A_102 = arith.constant 2 : i32
    %eq3A_103 = vector.broadcast %eq3A_102 : i32 to vector<16xi32>
    %eq3A_104 = arith.cmpi eq, %iota3A, %eq3A_103 : vector<16xi32>
    %jit3A_105 = arith.constant 0.000000e+00 : f32
    %broadcast_in_dim3A_106 = vector.broadcast %jit3A_105 : f32 to vector<16xf32>
    %select_n3A_107 = arith.select %eq3A_104, %get3A_37, %broadcast_in_dim3A_106 : vector<16xi1>, vector<16xf32>
    %reduce_sum3A_108 = arith.constant true
    %reduce_sum3A_109 = vector.broadcast %reduce_sum3A_108 : i1 to vector<16xi1>
    %reduce_sum3A_110 = tpu.scan <sum>, %select_n3A_107 masked %reduce_sum3A_109 : vector<16xf32>, vector<16xi1> -> vector<16xf32>
    %reduce_sum3A_111 = vector.extract %reduce_sum3A_110[15] : f32 from vector<16xf32>
    %eq3A_112 = arith.constant 2 : i32
    %eq3A_113 = vector.broadcast %eq3A_112 : i32 to vector<16xi32>
    %eq3A_114 = arith.cmpi eq, %iota3A, %eq3A_113 : vector<16xi32>
    %jit3A_115 = arith.constant 0.000000e+00 : f32
    %broadcast_in_dim3A_116 = vector.broadcast %jit3A_115 : f32 to vector<16xf32>
    %select_n3A_117 = arith.select %eq3A_114, %get3A_39, %broadcast_in_dim3A_116 : vector<16xi1>, vector<16xf32>
    %reduce_sum3A_118 = arith.constant true
    %reduce_sum3A_119 = vector.broadcast %reduce_sum3A_118 : i1 to vector<16xi1>
    %reduce_sum3A_120 = tpu.scan <sum>, %select_n3A_117 masked %reduce_sum3A_119 : vector<16xf32>, vector<16xi1> -> vector<16xf32>
    %reduce_sum3A_121 = vector.extract %reduce_sum3A_120[15] : f32 from vector<16xf32>
    %sub3A_122 = vector.broadcast %reduce_sum3A_111 : f32 to vector<16xf32>
    %sub3A_123 = arith.subf %get3A_20, %sub3A_122 : vector<16xf32>
    %sub3A_124 = vector.broadcast %reduce_sum3A_111 : f32 to vector<16xf32>
    %sub3A_125 = arith.subf %get3A_20, %sub3A_124 : vector<16xf32>
    %mul3A_126 = arith.mulf %sub3A_123, %sub3A_125 : vector<16xf32>
    %sub3A_127 = vector.broadcast %reduce_sum3A_121 : f32 to vector<16xf32>
    %sub3A_128 = arith.subf %get3A_24, %sub3A_127 : vector<16xf32>
    %sub3A_129 = vector.broadcast %reduce_sum3A_121 : f32 to vector<16xf32>
    %sub3A_130 = arith.subf %get3A_24, %sub3A_129 : vector<16xf32>
    %mul3A_131 = arith.mulf %sub3A_128, %sub3A_130 : vector<16xf32>
    %add3A_132 = arith.addf %mul3A_126, %mul3A_131 : vector<16xf32>
    %gt3A_133 = arith.cmpf ogt, %add3A_132, %select_n3A_101 : vector<16xf32>
    %jit3A_134 = arith.constant 2 : i32
    %broadcast_in_dim3A_135 = vector.broadcast %jit3A_134 : i32 to vector<16xi32>
    %select_n3A_136 = arith.select %gt3A_133, %broadcast_in_dim3A_135, %select_n3A_100 : vector<16xi1>, vector<16xi32>
    %select_n3A_137 = arith.select %gt3A_133, %add3A_132, %select_n3A_101 : vector<16xi1>, vector<16xf32>
    %eq3A_138 = arith.constant 3 : i32
    %eq3A_139 = vector.broadcast %eq3A_138 : i32 to vector<16xi32>
    %eq3A_140 = arith.cmpi eq, %iota3A, %eq3A_139 : vector<16xi32>
    %jit3A_141 = arith.constant 0.000000e+00 : f32
    %broadcast_in_dim3A_142 = vector.broadcast %jit3A_141 : f32 to vector<16xf32>
    %select_n3A_143 = arith.select %eq3A_140, %get3A_37, %broadcast_in_dim3A_142 : vector<16xi1>, vector<16xf32>
    %reduce_sum3A_144 = arith.constant true
    %reduce_sum3A_145 = vector.broadcast %reduce_sum3A_144 : i1 to vector<16xi1>
    %reduce_sum3A_146 = tpu.scan <sum>, %select_n3A_143 masked %reduce_sum3A_145 : vector<16xf32>, vector<16xi1> -> vector<16xf32>
    %reduce_sum3A_147 = vector.extract %reduce_sum3A_146[15] : f32 from vector<16xf32>
    %eq3A_148 = arith.constant 3 : i32
    %eq3A_149 = vector.broadcast %eq3A_148 : i32 to vector<16xi32>
    %eq3A_150 = arith.cmpi eq, %iota3A, %eq3A_149 : vector<16xi32>
    %jit3A_151 = arith.constant 0.000000e+00 : f32
    %broadcast_in_dim3A_152 = vector.broadcast %jit3A_151 : f32 to vector<16xf32>
    %select_n3A_153 = arith.select %eq3A_150, %get3A_39, %broadcast_in_dim3A_152 : vector<16xi1>, vector<16xf32>
    %reduce_sum3A_154 = arith.constant true
    %reduce_sum3A_155 = vector.broadcast %reduce_sum3A_154 : i1 to vector<16xi1>
    %reduce_sum3A_156 = tpu.scan <sum>, %select_n3A_153 masked %reduce_sum3A_155 : vector<16xf32>, vector<16xi1> -> vector<16xf32>
    %reduce_sum3A_157 = vector.extract %reduce_sum3A_156[15] : f32 from vector<16xf32>
    %sub3A_158 = vector.broadcast %reduce_sum3A_147 : f32 to vector<16xf32>
    %sub3A_159 = arith.subf %get3A_20, %sub3A_158 : vector<16xf32>
    %sub3A_160 = vector.broadcast %reduce_sum3A_147 : f32 to vector<16xf32>
    %sub3A_161 = arith.subf %get3A_20, %sub3A_160 : vector<16xf32>
    %mul3A_162 = arith.mulf %sub3A_159, %sub3A_161 : vector<16xf32>
    %sub3A_163 = vector.broadcast %reduce_sum3A_157 : f32 to vector<16xf32>
    %sub3A_164 = arith.subf %get3A_24, %sub3A_163 : vector<16xf32>
    %sub3A_165 = vector.broadcast %reduce_sum3A_157 : f32 to vector<16xf32>
    %sub3A_166 = arith.subf %get3A_24, %sub3A_165 : vector<16xf32>
    %mul3A_167 = arith.mulf %sub3A_164, %sub3A_166 : vector<16xf32>
    %add3A_168 = arith.addf %mul3A_162, %mul3A_167 : vector<16xf32>
    %gt3A_169 = arith.cmpf ogt, %add3A_168, %select_n3A_137 : vector<16xf32>
    %jit3A_170 = arith.constant 3 : i32
    %broadcast_in_dim3A_171 = vector.broadcast %jit3A_170 : i32 to vector<16xi32>
    %select_n3A_172 = arith.select %gt3A_169, %broadcast_in_dim3A_171, %select_n3A_136 : vector<16xi1>, vector<16xi32>
    %select_n3A_173 = arith.select %gt3A_169, %add3A_168, %select_n3A_137 : vector<16xi1>, vector<16xf32>
    %eq3A_174 = arith.constant 4 : i32
    %eq3A_175 = vector.broadcast %eq3A_174 : i32 to vector<16xi32>
    %eq3A_176 = arith.cmpi eq, %iota3A, %eq3A_175 : vector<16xi32>
    %jit3A_177 = arith.constant 0.000000e+00 : f32
    %broadcast_in_dim3A_178 = vector.broadcast %jit3A_177 : f32 to vector<16xf32>
    %select_n3A_179 = arith.select %eq3A_176, %get3A_37, %broadcast_in_dim3A_178 : vector<16xi1>, vector<16xf32>
    %reduce_sum3A_180 = arith.constant true
    %reduce_sum3A_181 = vector.broadcast %reduce_sum3A_180 : i1 to vector<16xi1>
    %reduce_sum3A_182 = tpu.scan <sum>, %select_n3A_179 masked %reduce_sum3A_181 : vector<16xf32>, vector<16xi1> -> vector<16xf32>
    %reduce_sum3A_183 = vector.extract %reduce_sum3A_182[15] : f32 from vector<16xf32>
    %eq3A_184 = arith.constant 4 : i32
    %eq3A_185 = vector.broadcast %eq3A_184 : i32 to vector<16xi32>
    %eq3A_186 = arith.cmpi eq, %iota3A, %eq3A_185 : vector<16xi32>
    %jit3A_187 = arith.constant 0.000000e+00 : f32
    %broadcast_in_dim3A_188 = vector.broadcast %jit3A_187 : f32 to vector<16xf32>
    %select_n3A_189 = arith.select %eq3A_186, %get3A_39, %broadcast_in_dim3A_188 : vector<16xi1>, vector<16xf32>
    %reduce_sum3A_190 = arith.constant true
    %reduce_sum3A_191 = vector.broadcast %reduce_sum3A_190 : i1 to vector<16xi1>
    %reduce_sum3A_192 = tpu.scan <sum>, %select_n3A_189 masked %reduce_sum3A_191 : vector<16xf32>, vector<16xi1> -> vector<16xf32>
    %reduce_sum3A_193 = vector.extract %reduce_sum3A_192[15] : f32 from vector<16xf32>
    %sub3A_194 = vector.broadcast %reduce_sum3A_183 : f32 to vector<16xf32>
    %sub3A_195 = arith.subf %get3A_20, %sub3A_194 : vector<16xf32>
    %sub3A_196 = vector.broadcast %reduce_sum3A_183 : f32 to vector<16xf32>
    %sub3A_197 = arith.subf %get3A_20, %sub3A_196 : vector<16xf32>
    %mul3A_198 = arith.mulf %sub3A_195, %sub3A_197 : vector<16xf32>
    %sub3A_199 = vector.broadcast %reduce_sum3A_193 : f32 to vector<16xf32>
    %sub3A_200 = arith.subf %get3A_24, %sub3A_199 : vector<16xf32>
    %sub3A_201 = vector.broadcast %reduce_sum3A_193 : f32 to vector<16xf32>
    %sub3A_202 = arith.subf %get3A_24, %sub3A_201 : vector<16xf32>
    %mul3A_203 = arith.mulf %sub3A_200, %sub3A_202 : vector<16xf32>
    %add3A_204 = arith.addf %mul3A_198, %mul3A_203 : vector<16xf32>
    %gt3A_205 = arith.cmpf ogt, %add3A_204, %select_n3A_173 : vector<16xf32>
    %jit3A_206 = arith.constant 4 : i32
    %broadcast_in_dim3A_207 = vector.broadcast %jit3A_206 : i32 to vector<16xi32>
    %select_n3A_208 = arith.select %gt3A_205, %broadcast_in_dim3A_207, %select_n3A_172 : vector<16xi1>, vector<16xi32>
    %select_n3A_209 = arith.select %gt3A_205, %add3A_204, %select_n3A_173 : vector<16xi1>, vector<16xf32>
    %convert_element_type3A_210 = arith.sitofp %add3A_35 : vector<16xi32> to vector<16xf32>
    %swap3A = arith.constant 0 : i32
    %swap3A_211 = arith.index_cast %swap3A : i32 to index
    %swap3A_212 = arith.constant 0 : index
    %swap3A_213 = tpu.vector_load %arg9[%swap3A_211, %swap3A_212] {strides = array<i32>} : memref<2x32xf32, #tpu.memory_space<vmem>>, vector<16xf32>,
    tpu.vector_store %arg9[%swap3A_211, %swap3A_212], %convert_element_type3A_210 {strides = array<i32>} : memref<2x32xf32, #tpu.memory_space<vmem>>, vector<16xf32>,
    %convert_element_type3A_214 = arith.sitofp %select_n3A_208 : vector<16xi32> to vector<16xf32>
    %swap3A_215 = arith.constant 1 : i32
    %swap3A_216 = arith.index_cast %swap3A_215 : i32 to index
    %swap3A_217 = arith.constant 0 : index
    %swap3A_218 = tpu.vector_load %arg9[%swap3A_216, %swap3A_217] {strides = array<i32>} : memref<2x32xf32, #tpu.memory_space<vmem>>, vector<16xf32>,
    tpu.vector_store %arg9[%swap3A_216, %swap3A_217], %convert_element_type3A_214 {strides = array<i32>} : memref<2x32xf32, #tpu.memory_space<vmem>>, vector<16xf32>,
    %get3A_219 = arith.constant 0 : i32
    %get3A_220 = arith.index_cast %get3A_219 : i32 to index
    %get3A_221 = arith.constant 16 : index
    %get3A_222 = tpu.vector_load %arg6[%get3A_220, %get3A_221] {strides = array<i32>} : memref<4x32xf32, #tpu.memory_space<vmem>>, vector<16xf32>,
    %get3A_223 = arith.constant 1 : i32
    %get3A_224 = arith.index_cast %get3A_223 : i32 to index
    %get3A_225 = arith.constant 16 : index
    %get3A_226 = tpu.vector_load %arg6[%get3A_224, %get3A_225] {strides = array<i32>} : memref<4x32xf32, #tpu.memory_space<vmem>>, vector<16xf32>,
    %get3A_227 = arith.constant 2 : i32
    %get3A_228 = arith.index_cast %get3A_227 : i32 to index
    %get3A_229 = arith.constant 16 : index
    %get3A_230 = tpu.vector_load %arg6[%get3A_228, %get3A_229] {strides = array<i32>} : memref<4x32xf32, #tpu.memory_space<vmem>>, vector<16xf32>,
    %get3A_231 = arith.constant 3 : i32
    %get3A_232 = arith.index_cast %get3A_231 : i32 to index
    %get3A_233 = arith.constant 16 : index
    %get3A_234 = tpu.vector_load %arg6[%get3A_232, %get3A_233] {strides = array<i32>} : memref<4x32xf32, #tpu.memory_space<vmem>>, vector<16xf32>,
    %mul3A_235 = arith.constant 2.600000e+01 : f32
    %mul3A_236 = vector.broadcast %mul3A_235 : f32 to vector<16xf32>
    %mul3A_237 = arith.mulf %get3A_222, %mul3A_236 : vector<16xf32>
    %convert_element_type3A_238 = arith.fptosi %mul3A_237 : vector<16xf32> to vector<16xi32>
    %mul3A_239 = arith.constant 2.600000e+01 : f32
    %mul3A_240 = vector.broadcast %mul3A_239 : f32 to vector<16xf32>
    %mul3A_241 = arith.mulf %get3A_226, %mul3A_240 : vector<16xf32>
    %convert_element_type3A_242 = arith.fptosi %mul3A_241 : vector<16xf32> to vector<16xi32>
    %mul3A_243 = arith.constant 26 : i32
    %mul3A_244 = vector.broadcast %mul3A_243 : i32 to vector<16xi32>
    %mul3A_245 = arith.muli %convert_element_type3A_238, %mul3A_244 : vector<16xi32>
    %add3A_246 = arith.addi %mul3A_245, %convert_element_type3A_242 : vector<16xi32>
    %get3A_247 = arith.constant 0 : index
    %get3A_248 = tpu.vector_load %arg7[%get3A_247] {strides = array<i32>} : memref<16xf32, #tpu.memory_space<vmem>>, vector<16xf32>,
    %get3A_249 = arith.constant 0 : index
    %get3A_250 = tpu.vector_load %arg8[%get3A_249] {strides = array<i32>} : memref<16xf32, #tpu.memory_space<vmem>>, vector<16xf32>,
    %broadcast_in_dim3A_251 = arith.constant 0 : i32
    %broadcast_in_dim3A_252 = vector.broadcast %broadcast_in_dim3A_251 : i32 to vector<16xi32>
    %eq3A_253 = arith.constant 0 : i32
    %eq3A_254 = vector.broadcast %eq3A_253 : i32 to vector<16xi32>
    %eq3A_255 = arith.cmpi eq, %iota3A, %eq3A_254 : vector<16xi32>
    %jit3A_256 = arith.constant 0.000000e+00 : f32
    %broadcast_in_dim3A_257 = vector.broadcast %jit3A_256 : f32 to vector<16xf32>
    %select_n3A_258 = arith.select %eq3A_255, %get3A_248, %broadcast_in_dim3A_257 : vector<16xi1>, vector<16xf32>
    %reduce_sum3A_259 = arith.constant true
    %reduce_sum3A_260 = vector.broadcast %reduce_sum3A_259 : i1 to vector<16xi1>
    %reduce_sum3A_261 = tpu.scan <sum>, %select_n3A_258 masked %reduce_sum3A_260 : vector<16xf32>, vector<16xi1> -> vector<16xf32>
    %reduce_sum3A_262 = vector.extract %reduce_sum3A_261[15] : f32 from vector<16xf32>
    %eq3A_263 = arith.constant 0 : i32
    %eq3A_264 = vector.broadcast %eq3A_263 : i32 to vector<16xi32>
    %eq3A_265 = arith.cmpi eq, %iota3A, %eq3A_264 : vector<16xi32>
    %jit3A_266 = arith.constant 0.000000e+00 : f32
    %broadcast_in_dim3A_267 = vector.broadcast %jit3A_266 : f32 to vector<16xf32>
    %select_n3A_268 = arith.select %eq3A_265, %get3A_250, %broadcast_in_dim3A_267 : vector<16xi1>, vector<16xf32>
    %reduce_sum3A_269 = arith.constant true
    %reduce_sum3A_270 = vector.broadcast %reduce_sum3A_269 : i1 to vector<16xi1>
    %reduce_sum3A_271 = tpu.scan <sum>, %select_n3A_268 masked %reduce_sum3A_270 : vector<16xf32>, vector<16xi1> -> vector<16xf32>
    %reduce_sum3A_272 = vector.extract %reduce_sum3A_271[15] : f32 from vector<16xf32>
    %sub3A_273 = vector.broadcast %reduce_sum3A_262 : f32 to vector<16xf32>
    %sub3A_274 = arith.subf %get3A_230, %sub3A_273 : vector<16xf32>
    %sub3A_275 = vector.broadcast %reduce_sum3A_262 : f32 to vector<16xf32>
    %sub3A_276 = arith.subf %get3A_230, %sub3A_275 : vector<16xf32>
    %mul3A_277 = arith.mulf %sub3A_274, %sub3A_276 : vector<16xf32>
    %sub3A_278 = vector.broadcast %reduce_sum3A_272 : f32 to vector<16xf32>
    %sub3A_279 = arith.subf %get3A_234, %sub3A_278 : vector<16xf32>
    %sub3A_280 = vector.broadcast %reduce_sum3A_272 : f32 to vector<16xf32>
    %sub3A_281 = arith.subf %get3A_234, %sub3A_280 : vector<16xf32>
    %mul3A_282 = arith.mulf %sub3A_279, %sub3A_281 : vector<16xf32>
    %add3A_283 = arith.addf %mul3A_277, %mul3A_282 : vector<16xf32>
    %eq3A_284 = arith.constant 1 : i32
    %eq3A_285 = vector.broadcast %eq3A_284 : i32 to vector<16xi32>
    %eq3A_286 = arith.cmpi eq, %iota3A, %eq3A_285 : vector<16xi32>
    %jit3A_287 = arith.constant 0.000000e+00 : f32
    %broadcast_in_dim3A_288 = vector.broadcast %jit3A_287 : f32 to vector<16xf32>
    %select_n3A_289 = arith.select %eq3A_286, %get3A_248, %broadcast_in_dim3A_288 : vector<16xi1>, vector<16xf32>
    %reduce_sum3A_290 = arith.constant true
    %reduce_sum3A_291 = vector.broadcast %reduce_sum3A_290 : i1 to vector<16xi1>
    %reduce_sum3A_292 = tpu.scan <sum>, %select_n3A_289 masked %reduce_sum3A_291 : vector<16xf32>, vector<16xi1> -> vector<16xf32>
    %reduce_sum3A_293 = vector.extract %reduce_sum3A_292[15] : f32 from vector<16xf32>
    %eq3A_294 = arith.constant 1 : i32
    %eq3A_295 = vector.broadcast %eq3A_294 : i32 to vector<16xi32>
    %eq3A_296 = arith.cmpi eq, %iota3A, %eq3A_295 : vector<16xi32>
    %jit3A_297 = arith.constant 0.000000e+00 : f32
    %broadcast_in_dim3A_298 = vector.broadcast %jit3A_297 : f32 to vector<16xf32>
    %select_n3A_299 = arith.select %eq3A_296, %get3A_250, %broadcast_in_dim3A_298 : vector<16xi1>, vector<16xf32>
    %reduce_sum3A_300 = arith.constant true
    %reduce_sum3A_301 = vector.broadcast %reduce_sum3A_300 : i1 to vector<16xi1>
    %reduce_sum3A_302 = tpu.scan <sum>, %select_n3A_299 masked %reduce_sum3A_301 : vector<16xf32>, vector<16xi1> -> vector<16xf32>
    %reduce_sum3A_303 = vector.extract %reduce_sum3A_302[15] : f32 from vector<16xf32>
    %sub3A_304 = vector.broadcast %reduce_sum3A_293 : f32 to vector<16xf32>
    %sub3A_305 = arith.subf %get3A_230, %sub3A_304 : vector<16xf32>
    %sub3A_306 = vector.broadcast %reduce_sum3A_293 : f32 to vector<16xf32>
    %sub3A_307 = arith.subf %get3A_230, %sub3A_306 : vector<16xf32>
    %mul3A_308 = arith.mulf %sub3A_305, %sub3A_307 : vector<16xf32>
    %sub3A_309 = vector.broadcast %reduce_sum3A_303 : f32 to vector<16xf32>
    %sub3A_310 = arith.subf %get3A_234, %sub3A_309 : vector<16xf32>
    %sub3A_311 = vector.broadcast %reduce_sum3A_303 : f32 to vector<16xf32>
    %sub3A_312 = arith.subf %get3A_234, %sub3A_311 : vector<16xf32>
    %mul3A_313 = arith.mulf %sub3A_310, %sub3A_312 : vector<16xf32>
    %add3A_314 = arith.addf %mul3A_308, %mul3A_313 : vector<16xf32>
    %gt3A_315 = arith.cmpf ogt, %add3A_314, %add3A_283 : vector<16xf32>
    %jit3A_316 = arith.constant 1 : i32
    %broadcast_in_dim3A_317 = vector.broadcast %jit3A_316 : i32 to vector<16xi32>
    %select_n3A_318 = arith.select %gt3A_315, %broadcast_in_dim3A_317, %broadcast_in_dim3A_252 : vector<16xi1>, vector<16xi32>
    %select_n3A_319 = arith.select %gt3A_315, %add3A_314, %add3A_283 : vector<16xi1>, vector<16xf32>
    %eq3A_320 = arith.constant 2 : i32
    %eq3A_321 = vector.broadcast %eq3A_320 : i32 to vector<16xi32>
    %eq3A_322 = arith.cmpi eq, %iota3A, %eq3A_321 : vector<16xi32>
    %jit3A_323 = arith.constant 0.000000e+00 : f32
    %broadcast_in_dim3A_324 = vector.broadcast %jit3A_323 : f32 to vector<16xf32>
    %select_n3A_325 = arith.select %eq3A_322, %get3A_248, %broadcast_in_dim3A_324 : vector<16xi1>, vector<16xf32>
    %reduce_sum3A_326 = arith.constant true
    %reduce_sum3A_327 = vector.broadcast %reduce_sum3A_326 : i1 to vector<16xi1>
    %reduce_sum3A_328 = tpu.scan <sum>, %select_n3A_325 masked %reduce_sum3A_327 : vector<16xf32>, vector<16xi1> -> vector<16xf32>
    %reduce_sum3A_329 = vector.extract %reduce_sum3A_328[15] : f32 from vector<16xf32>
    %eq3A_330 = arith.constant 2 : i32
    %eq3A_331 = vector.broadcast %eq3A_330 : i32 to vector<16xi32>
    %eq3A_332 = arith.cmpi eq, %iota3A, %eq3A_331 : vector<16xi32>
    %jit3A_333 = arith.constant 0.000000e+00 : f32
    %broadcast_in_dim3A_334 = vector.broadcast %jit3A_333 : f32 to vector<16xf32>
    %select_n3A_335 = arith.select %eq3A_332, %get3A_250, %broadcast_in_dim3A_334 : vector<16xi1>, vector<16xf32>
    %reduce_sum3A_336 = arith.constant true
    %reduce_sum3A_337 = vector.broadcast %reduce_sum3A_336 : i1 to vector<16xi1>
    %reduce_sum3A_338 = tpu.scan <sum>, %select_n3A_335 masked %reduce_sum3A_337 : vector<16xf32>, vector<16xi1> -> vector<16xf32>
    %reduce_sum3A_339 = vector.extract %reduce_sum3A_338[15] : f32 from vector<16xf32>
    %sub3A_340 = vector.broadcast %reduce_sum3A_329 : f32 to vector<16xf32>
    %sub3A_341 = arith.subf %get3A_230, %sub3A_340 : vector<16xf32>
    %sub3A_342 = vector.broadcast %reduce_sum3A_329 : f32 to vector<16xf32>
    %sub3A_343 = arith.subf %get3A_230, %sub3A_342 : vector<16xf32>
    %mul3A_344 = arith.mulf %sub3A_341, %sub3A_343 : vector<16xf32>
    %sub3A_345 = vector.broadcast %reduce_sum3A_339 : f32 to vector<16xf32>
    %sub3A_346 = arith.subf %get3A_234, %sub3A_345 : vector<16xf32>
    %sub3A_347 = vector.broadcast %reduce_sum3A_339 : f32 to vector<16xf32>
    %sub3A_348 = arith.subf %get3A_234, %sub3A_347 : vector<16xf32>
    %mul3A_349 = arith.mulf %sub3A_346, %sub3A_348 : vector<16xf32>
    %add3A_350 = arith.addf %mul3A_344, %mul3A_349 : vector<16xf32>
    %gt3A_351 = arith.cmpf ogt, %add3A_350, %select_n3A_319 : vector<16xf32>
    %jit3A_352 = arith.constant 2 : i32
    %broadcast_in_dim3A_353 = vector.broadcast %jit3A_352 : i32 to vector<16xi32>
    %select_n3A_354 = arith.select %gt3A_351, %broadcast_in_dim3A_353, %select_n3A_318 : vector<16xi1>, vector<16xi32>
    %select_n3A_355 = arith.select %gt3A_351, %add3A_350, %select_n3A_319 : vector<16xi1>, vector<16xf32>
    %eq3A_356 = arith.constant 3 : i32
    %eq3A_357 = vector.broadcast %eq3A_356 : i32 to vector<16xi32>
    %eq3A_358 = arith.cmpi eq, %iota3A, %eq3A_357 : vector<16xi32>
    %jit3A_359 = arith.constant 0.000000e+00 : f32
    %broadcast_in_dim3A_360 = vector.broadcast %jit3A_359 : f32 to vector<16xf32>
    %select_n3A_361 = arith.select %eq3A_358, %get3A_248, %broadcast_in_dim3A_360 : vector<16xi1>, vector<16xf32>
    %reduce_sum3A_362 = arith.constant true
    %reduce_sum3A_363 = vector.broadcast %reduce_sum3A_362 : i1 to vector<16xi1>
    %reduce_sum3A_364 = tpu.scan <sum>, %select_n3A_361 masked %reduce_sum3A_363 : vector<16xf32>, vector<16xi1> -> vector<16xf32>
    %reduce_sum3A_365 = vector.extract %reduce_sum3A_364[15] : f32 from vector<16xf32>
    %eq3A_366 = arith.constant 3 : i32
    %eq3A_367 = vector.broadcast %eq3A_366 : i32 to vector<16xi32>
    %eq3A_368 = arith.cmpi eq, %iota3A, %eq3A_367 : vector<16xi32>
    %jit3A_369 = arith.constant 0.000000e+00 : f32
    %broadcast_in_dim3A_370 = vector.broadcast %jit3A_369 : f32 to vector<16xf32>
    %select_n3A_371 = arith.select %eq3A_368, %get3A_250, %broadcast_in_dim3A_370 : vector<16xi1>, vector<16xf32>
    %reduce_sum3A_372 = arith.constant true
    %reduce_sum3A_373 = vector.broadcast %reduce_sum3A_372 : i1 to vector<16xi1>
    %reduce_sum3A_374 = tpu.scan <sum>, %select_n3A_371 masked %reduce_sum3A_373 : vector<16xf32>, vector<16xi1> -> vector<16xf32>
    %reduce_sum3A_375 = vector.extract %reduce_sum3A_374[15] : f32 from vector<16xf32>
    %sub3A_376 = vector.broadcast %reduce_sum3A_365 : f32 to vector<16xf32>
    %sub3A_377 = arith.subf %get3A_230, %sub3A_376 : vector<16xf32>
    %sub3A_378 = vector.broadcast %reduce_sum3A_365 : f32 to vector<16xf32>
    %sub3A_379 = arith.subf %get3A_230, %sub3A_378 : vector<16xf32>
    %mul3A_380 = arith.mulf %sub3A_377, %sub3A_379 : vector<16xf32>
    %sub3A_381 = vector.broadcast %reduce_sum3A_375 : f32 to vector<16xf32>
    %sub3A_382 = arith.subf %get3A_234, %sub3A_381 : vector<16xf32>
    %sub3A_383 = vector.broadcast %reduce_sum3A_375 : f32 to vector<16xf32>
    %sub3A_384 = arith.subf %get3A_234, %sub3A_383 : vector<16xf32>
    %mul3A_385 = arith.mulf %sub3A_382, %sub3A_384 : vector<16xf32>
    %add3A_386 = arith.addf %mul3A_380, %mul3A_385 : vector<16xf32>
    %gt3A_387 = arith.cmpf ogt, %add3A_386, %select_n3A_355 : vector<16xf32>
    %jit3A_388 = arith.constant 3 : i32
    %broadcast_in_dim3A_389 = vector.broadcast %jit3A_388 : i32 to vector<16xi32>
    %select_n3A_390 = arith.select %gt3A_387, %broadcast_in_dim3A_389, %select_n3A_354 : vector<16xi1>, vector<16xi32>
    %select_n3A_391 = arith.select %gt3A_387, %add3A_386, %select_n3A_355 : vector<16xi1>, vector<16xf32>
    %eq3A_392 = arith.constant 4 : i32
    %eq3A_393 = vector.broadcast %eq3A_392 : i32 to vector<16xi32>
    %eq3A_394 = arith.cmpi eq, %iota3A, %eq3A_393 : vector<16xi32>
    %jit3A_395 = arith.constant 0.000000e+00 : f32
    %broadcast_in_dim3A_396 = vector.broadcast %jit3A_395 : f32 to vector<16xf32>
    %select_n3A_397 = arith.select %eq3A_394, %get3A_248, %broadcast_in_dim3A_396 : vector<16xi1>, vector<16xf32>
    %reduce_sum3A_398 = arith.constant true
    %reduce_sum3A_399 = vector.broadcast %reduce_sum3A_398 : i1 to vector<16xi1>
    %reduce_sum3A_400 = tpu.scan <sum>, %select_n3A_397 masked %reduce_sum3A_399 : vector<16xf32>, vector<16xi1> -> vector<16xf32>
    %reduce_sum3A_401 = vector.extract %reduce_sum3A_400[15] : f32 from vector<16xf32>
    %eq3A_402 = arith.constant 4 : i32
    %eq3A_403 = vector.broadcast %eq3A_402 : i32 to vector<16xi32>
    %eq3A_404 = arith.cmpi eq, %iota3A, %eq3A_403 : vector<16xi32>
    %jit3A_405 = arith.constant 0.000000e+00 : f32
    %broadcast_in_dim3A_406 = vector.broadcast %jit3A_405 : f32 to vector<16xf32>
    %select_n3A_407 = arith.select %eq3A_404, %get3A_250, %broadcast_in_dim3A_406 : vector<16xi1>, vector<16xf32>
    %reduce_sum3A_408 = arith.constant true
    %reduce_sum3A_409 = vector.broadcast %reduce_sum3A_408 : i1 to vector<16xi1>
    %reduce_sum3A_410 = tpu.scan <sum>, %select_n3A_407 masked %reduce_sum3A_409 : vector<16xf32>, vector<16xi1> -> vector<16xf32>
    %reduce_sum3A_411 = vector.extract %reduce_sum3A_410[15] : f32 from vector<16xf32>
    %sub3A_412 = vector.broadcast %reduce_sum3A_401 : f32 to vector<16xf32>
    %sub3A_413 = arith.subf %get3A_230, %sub3A_412 : vector<16xf32>
    %sub3A_414 = vector.broadcast %reduce_sum3A_401 : f32 to vector<16xf32>
    %sub3A_415 = arith.subf %get3A_230, %sub3A_414 : vector<16xf32>
    %mul3A_416 = arith.mulf %sub3A_413, %sub3A_415 : vector<16xf32>
    %sub3A_417 = vector.broadcast %reduce_sum3A_411 : f32 to vector<16xf32>
    %sub3A_418 = arith.subf %get3A_234, %sub3A_417 : vector<16xf32>
    %sub3A_419 = vector.broadcast %reduce_sum3A_411 : f32 to vector<16xf32>
    %sub3A_420 = arith.subf %get3A_234, %sub3A_419 : vector<16xf32>
    %mul3A_421 = arith.mulf %sub3A_418, %sub3A_420 : vector<16xf32>
    %add3A_422 = arith.addf %mul3A_416, %mul3A_421 : vector<16xf32>
    %gt3A_423 = arith.cmpf ogt, %add3A_422, %select_n3A_391 : vector<16xf32>
    %jit3A_424 = arith.constant 4 : i32
    %broadcast_in_dim3A_425 = vector.broadcast %jit3A_424 : i32 to vector<16xi32>
    %select_n3A_426 = arith.select %gt3A_423, %broadcast_in_dim3A_425, %select_n3A_390 : vector<16xi1>, vector<16xi32>
    %select_n3A_427 = arith.select %gt3A_423, %add3A_422, %select_n3A_391 : vector<16xi1>, vector<16xf32>
    %convert_element_type3A_428 = arith.sitofp %add3A_246 : vector<16xi32> to vector<16xf32>
    %swap3A_429 = arith.constant 0 : i32
    %swap3A_430 = arith.index_cast %swap3A_429 : i32 to index
    %swap3A_431 = arith.constant 16 : index
    %swap3A_432 = tpu.vector_load %arg9[%swap3A_430, %swap3A_431] {strides = array<i32>} : memref<2x32xf32, #tpu.memory_space<vmem>>, vector<16xf32>,
    tpu.vector_store %arg9[%swap3A_430, %swap3A_431], %convert_element_type3A_428 {strides = array<i32>} : memref<2x32xf32, #tpu.memory_space<vmem>>, vector<16xf32>,
    %convert_element_type3A_433 = arith.sitofp %select_n3A_426 : vector<16xi32> to vector<16xf32>
    %swap3A_434 = arith.constant 1 : i32
    %swap3A_435 = arith.index_cast %swap3A_434 : i32 to index
    %swap3A_436 = arith.constant 16 : index
    %swap3A_437 = tpu.vector_load %arg9[%swap3A_435, %swap3A_436] {strides = array<i32>} : memref<2x32xf32, #tpu.memory_space<vmem>>, vector<16xf32>,
    tpu.vector_store %arg9[%swap3A_435, %swap3A_436], %convert_element_type3A_433 {strides = array<i32>} : memref<2x32xf32, #tpu.memory_space<vmem>>, vector<16xf32>,
    %run_scoped3A_438 = arith.constant 0 : i32
    %run_scoped3A_439 = arith.constant 0 : i32
    "tpu.region"() ({
      %run_scoped3A_442 = tpu.sem_alloc : memref<!tpu.dma_semaphore, #tpu.memory_space<semaphore_mem>>
      %dma_start3A = arith.constant 0 : i32
      %dma_start3A_443 = tpu.memref_slice %arg9[%run_scoped3A_438, %dma_start3A] : memref<2x32xf32, #tpu.memory_space<vmem>> -> memref<1x32xf32, #tpu.memory_space<vmem>>
      %dma_start3A_444 = tpu.memref_squeeze %dma_start3A_443 : memref<1x32xf32, #tpu.memory_space<vmem>> -> memref<32xf32, #tpu.memory_space<vmem>>
      %dma_start3A_445 = tpu.memref_slice %arg5[%run_scoped3A_439, %mul3A_2] : memref<2x1024xf32, #tpu.memory_space<hbm>> -> memref<1x32xf32, #tpu.memory_space<hbm>>
      %dma_start3A_446 = tpu.memref_squeeze %dma_start3A_445 : memref<1x32xf32, #tpu.memory_space<hbm>> -> memref<32xf32, #tpu.memory_space<hbm>>
      %dma_start3A_447 = tpu.memref_slice %arg5[%run_scoped3A_439, %mul3A_2] : memref<2x1024xf32, #tpu.memory_space<hbm>> -> memref<1x32xf32, #tpu.memory_space<hbm>>
      %dma_start3A_448 = tpu.memref_squeeze %dma_start3A_447 : memref<1x32xf32, #tpu.memory_space<hbm>> -> memref<32xf32, #tpu.memory_space<hbm>>
      %dma_start3A_449 = arith.constant 0 : i32
      %dma_start3A_450 = tpu.memref_slice %arg9[%run_scoped3A_438, %dma_start3A_449] : memref<2x32xf32, #tpu.memory_space<vmem>> -> memref<1x32xf32, #tpu.memory_space<vmem>>
      %dma_start3A_451 = tpu.memref_squeeze %dma_start3A_450 : memref<1x32xf32, #tpu.memory_space<vmem>> -> memref<32xf32, #tpu.memory_space<vmem>>
      tpu.enqueue_dma source(%dma_start3A_451 : memref<32xf32, #tpu.memory_space<vmem>>) target(%dma_start3A_448 : memref<32xf32, #tpu.memory_space<hbm>>) target_semaphore(%run_scoped3A_442 : memref<!tpu.dma_semaphore, #tpu.memory_space<semaphore_mem>>)
      %dma_wait3A = arith.constant 0 : i32
      %dma_wait3A_452 = tpu.memref_slice %arg9[%run_scoped3A_438, %dma_wait3A] : memref<2x32xf32, #tpu.memory_space<vmem>> -> memref<1x32xf32, #tpu.memory_space<vmem>>
      %dma_wait3A_453 = tpu.memref_squeeze %dma_wait3A_452 : memref<1x32xf32, #tpu.memory_space<vmem>> -> memref<32xf32, #tpu.memory_space<vmem>>
      %dma_wait3A_454 = tpu.memref_slice %arg5[%run_scoped3A_439, %mul3A_2] : memref<2x1024xf32, #tpu.memory_space<hbm>> -> memref<1x32xf32, #tpu.memory_space<hbm>>
      %dma_wait3A_455 = tpu.memref_squeeze %dma_wait3A_454 : memref<1x32xf32, #tpu.memory_space<hbm>> -> memref<32xf32, #tpu.memory_space<hbm>>
      %dma_wait3A_456 = tpu.memref_slice %arg5[%run_scoped3A_439, %mul3A_2] : memref<2x1024xf32, #tpu.memory_space<hbm>> -> memref<1x32xf32, #tpu.memory_space<hbm>>
      %dma_wait3A_457 = tpu.memref_squeeze %dma_wait3A_456 : memref<1x32xf32, #tpu.memory_space<hbm>> -> memref<32xf32, #tpu.memory_space<hbm>>
      %dma_wait3A_458 = arith.constant 0 : i32
      %dma_wait3A_459 = tpu.memref_slice %arg9[%run_scoped3A_438, %dma_wait3A_458] : memref<2x32xf32, #tpu.memory_space<vmem>> -> memref<1x32xf32, #tpu.memory_space<vmem>>
      %dma_wait3A_460 = tpu.memref_squeeze %dma_wait3A_459 : memref<1x32xf32, #tpu.memory_space<vmem>> -> memref<32xf32, #tpu.memory_space<vmem>>
      tpu.wait_dma2 semaphore(%run_scoped3A_442 : memref<!tpu.dma_semaphore, #tpu.memory_space<semaphore_mem>>) src(%dma_wait3A_460 : memref<32xf32, #tpu.memory_space<vmem>>) dst(%dma_wait3A_457 : memref<32xf32, #tpu.memory_space<hbm>>)
      tpu.yield
    }) : () -> ()
    %run_scoped3A_440 = arith.constant 1 : i32
    %run_scoped3A_441 = arith.constant 1 : i32
    "tpu.region"() ({
      %run_scoped3A_442 = tpu.sem_alloc : memref<!tpu.dma_semaphore, #tpu.memory_space<semaphore_mem>>
      %dma_start3A = arith.constant 0 : i32
      %dma_start3A_443 = tpu.memref_slice %arg9[%run_scoped3A_440, %dma_start3A] : memref<2x32xf32, #tpu.memory_space<vmem>> -> memref<1x32xf32, #tpu.memory_space<vmem>>
      %dma_start3A_444 = tpu.memref_squeeze %dma_start3A_443 : memref<1x32xf32, #tpu.memory_space<vmem>> -> memref<32xf32, #tpu.memory_space<vmem>>
      %dma_start3A_445 = tpu.memref_slice %arg5[%run_scoped3A_441, %mul3A_2] : memref<2x1024xf32, #tpu.memory_space<hbm>> -> memref<1x32xf32, #tpu.memory_space<hbm>>
      %dma_start3A_446 = tpu.memref_squeeze %dma_start3A_445 : memref<1x32xf32, #tpu.memory_space<hbm>> -> memref<32xf32, #tpu.memory_space<hbm>>
      %dma_start3A_447 = tpu.memref_slice %arg5[%run_scoped3A_441, %mul3A_2] : memref<2x1024xf32, #tpu.memory_space<hbm>> -> memref<1x32xf32, #tpu.memory_space<hbm>>
      %dma_start3A_448 = tpu.memref_squeeze %dma_start3A_447 : memref<1x32xf32, #tpu.memory_space<hbm>> -> memref<32xf32, #tpu.memory_space<hbm>>
      %dma_start3A_449 = arith.constant 0 : i32
      %dma_start3A_450 = tpu.memref_slice %arg9[%run_scoped3A_440, %dma_start3A_449] : memref<2x32xf32, #tpu.memory_space<vmem>> -> memref<1x32xf32, #tpu.memory_space<vmem>>
      %dma_start3A_451 = tpu.memref_squeeze %dma_start3A_450 : memref<1x32xf32, #tpu.memory_space<vmem>> -> memref<32xf32, #tpu.memory_space<vmem>>
      tpu.enqueue_dma source(%dma_start3A_451 : memref<32xf32, #tpu.memory_space<vmem>>) target(%dma_start3A_448 : memref<32xf32, #tpu.memory_space<hbm>>) target_semaphore(%run_scoped3A_442 : memref<!tpu.dma_semaphore, #tpu.memory_space<semaphore_mem>>)
      %dma_wait3A = arith.constant 0 : i32
      %dma_wait3A_452 = tpu.memref_slice %arg9[%run_scoped3A_440, %dma_wait3A] : memref<2x32xf32, #tpu.memory_space<vmem>> -> memref<1x32xf32, #tpu.memory_space<vmem>>
      %dma_wait3A_453 = tpu.memref_squeeze %dma_wait3A_452 : memref<1x32xf32, #tpu.memory_space<vmem>> -> memref<32xf32, #tpu.memory_space<vmem>>
      %dma_wait3A_454 = tpu.memref_slice %arg5[%run_scoped3A_441, %mul3A_2] : memref<2x1024xf32, #tpu.memory_space<hbm>> -> memref<1x32xf32, #tpu.memory_space<hbm>>
      %dma_wait3A_455 = tpu.memref_squeeze %dma_wait3A_454 : memref<1x32xf32, #tpu.memory_space<hbm>> -> memref<32xf32, #tpu.memory_space<hbm>>
      %dma_wait3A_456 = tpu.memref_slice %arg5[%run_scoped3A_441, %mul3A_2] : memref<2x1024xf32, #tpu.memory_space<hbm>> -> memref<1x32xf32, #tpu.memory_space<hbm>>
      %dma_wait3A_457 = tpu.memref_squeeze %dma_wait3A_456 : memref<1x32xf32, #tpu.memory_space<hbm>> -> memref<32xf32, #tpu.memory_space<hbm>>
      %dma_wait3A_458 = arith.constant 0 : i32
      %dma_wait3A_459 = tpu.memref_slice %arg9[%run_scoped3A_440, %dma_wait3A_458] : memref<2x32xf32, #tpu.memory_space<vmem>> -> memref<1x32xf32, #tpu.memory_space<vmem>>
      %dma_wait3A_460 = tpu.memref_squeeze %dma_wait3A_459 : memref<1x32xf32, #tpu.memory_space<vmem>> -> memref<32xf32, #tpu.memory_space<vmem>>
      tpu.wait_dma2 semaphore(%run_scoped3A_442 : memref<!tpu.dma_semaphore, #tpu.memory_space<semaphore_mem>>) src(%dma_wait3A_460 : memref<32xf32, #tpu.memory_space<vmem>>) dst(%dma_wait3A_457 : memref<32xf32, #tpu.memory_space<hbm>>)
      tpu.yield
    }) : () -> ()
    return
  }
}

module attributes {stable_mosaic.version = 14 : i64} {
  func.func @_dense_body(%arg0: i32, %arg1: memref<1x5x676x1024xf32, #tpu.memory_space<vmem>>, %arg2: memref<2x1024xf32, #tpu.memory_space<vmem>>, %arg3: memref<4x1024xf32, #tpu.memory_space<vmem>>, %arg4: memref<5xf32, #tpu.memory_space<smem>>, %arg5: memref<5xf32, #tpu.memory_space<smem>>, %arg6: memref<5xf32, #tpu.memory_space<smem>>, %arg7: memref<5xf32, #tpu.memory_space<smem>>, %arg8: memref<1x1xf32, #tpu.memory_space<smem>>, %arg9: memref<8x1024xf32, #tpu.memory_space<vmem>>) attributes {dimension_semantics = [#tpu.dimension_semantics<arbitrary>], iteration_bounds = array<i64: 5>, scalar_prefetch = 0 : i64, scratch_operands = 1 : i64, tpu.core_type = #tpu.core_type<tc>, window_params = [{transform_indices = @transform_0, window_bounds = array<i64: 1, 5, 676, 1024>}, {pipeline_mode = #tpu.pipeline_mode<synchronous>, transform_indices = @transform_1, window_bounds = array<i64: 2, 1024>}, {pipeline_mode = #tpu.pipeline_mode<synchronous>, transform_indices = @transform_2, window_bounds = array<i64: 4, 1024>}, {transform_indices = @transform_3, window_bounds = array<i64: 5>}, {transform_indices = @transform_4, window_bounds = array<i64: 5>}, {transform_indices = @transform_5, window_bounds = array<i64: 5>}, {transform_indices = @transform_6, window_bounds = array<i64: 5>}, {transform_indices = @transform_7, window_bounds = array<i64: 1, 1>}]} {
    %get3A = arith.constant 0 : index
    %get3A_0 = arith.constant 0 : index
    %get3A_1 = vector.load %arg2[%get3A, %get3A_0] : memref<2x1024xf32, #tpu.memory_space<vmem>>, vector<1x1024xf32>
    %get3A_2 = vector.shape_cast %get3A_1 : vector<1x1024xf32> to vector<1024xf32>
    %get3A_3 = arith.constant 1 : index
    %get3A_4 = arith.constant 0 : index
    %get3A_5 = vector.load %arg2[%get3A_3, %get3A_4] : memref<2x1024xf32, #tpu.memory_space<vmem>>, vector<1x1024xf32>
    %get3A_6 = vector.shape_cast %get3A_5 : vector<1x1024xf32> to vector<1024xf32>
    %convert_element_type3A = arith.fptosi %get3A_2 : vector<1024xf32> to vector<1024xi32>
    %convert_element_type3A_7 = arith.fptosi %get3A_6 : vector<1024xf32> to vector<1024xi32>
    %iota3A = tpu.iota {dimensions = array<i32: 0>} : vector<676x1024xi32>
    %broadcast_in_dim3A = vector.shape_cast %convert_element_type3A : vector<1024xi32> to vector<1x1024xi32>
    %eq3A = vector.broadcast %broadcast_in_dim3A : vector<1x1024xi32> to vector<676x1024xi32>
    %eq3A_8 = arith.cmpi eq, %iota3A, %eq3A : vector<676x1024xi32>
    %broadcast_in_dim3A_9 = vector.shape_cast %convert_element_type3A_7 : vector<1024xi32> to vector<1x1024xi32>
    %eq3A_10 = vector.broadcast %arg0 : i32 to vector<1x1024xi32>
    %eq3A_11 = arith.cmpi eq, %broadcast_in_dim3A_9, %eq3A_10 : vector<1x1024xi32>
    %and3A = vector.broadcast %eq3A_11 : vector<1x1024xi1> to vector<676x1024xi1>
    %and3A_12 = arith.andi %eq3A_8, %and3A : vector<676x1024xi1>
    %jit3A = arith.constant 1.000000e+00 : f32
    %jit3A_13 = arith.constant 0.000000e+00 : f32
    %broadcast_in_dim3A_14 = vector.broadcast %jit3A : f32 to vector<676x1024xf32>
    %broadcast_in_dim3A_15 = vector.broadcast %jit3A_13 : f32 to vector<676x1024xf32>
    %select_n3A = arith.select %and3A_12, %broadcast_in_dim3A_14, %broadcast_in_dim3A_15 : vector<676x1024xi1>, vector<676x1024xf32>
    %get3A_16 = arith.constant 0 : index
    %get3A_17 = arith.constant 0 : index
    %get3A_18 = arith.constant 0 : index
    %get3A_19 = arith.constant 0 : index
    %get3A_20 = vector.load %arg1[%get3A_16, %get3A_17, %get3A_18, %get3A_19] : memref<1x5x676x1024xf32, #tpu.memory_space<vmem>>, vector<1x1x676x1024xf32>
    %get3A_21 = vector.shape_cast %get3A_20 : vector<1x1x676x1024xf32> to vector<676x1024xf32>
    %get3A_22 = arith.constant 0 : index
    %get3A_23 = arith.constant 1 : index
    %get3A_24 = arith.constant 0 : index
    %get3A_25 = arith.constant 0 : index
    %get3A_26 = vector.load %arg1[%get3A_22, %get3A_23, %get3A_24, %get3A_25] : memref<1x5x676x1024xf32, #tpu.memory_space<vmem>>, vector<1x1x676x1024xf32>
    %get3A_27 = vector.shape_cast %get3A_26 : vector<1x1x676x1024xf32> to vector<676x1024xf32>
    %get3A_28 = arith.constant 0 : index
    %get3A_29 = arith.constant 2 : index
    %get3A_30 = arith.constant 0 : index
    %get3A_31 = arith.constant 0 : index
    %get3A_32 = vector.load %arg1[%get3A_28, %get3A_29, %get3A_30, %get3A_31] : memref<1x5x676x1024xf32, #tpu.memory_space<vmem>>, vector<1x1x676x1024xf32>
    %get3A_33 = vector.shape_cast %get3A_32 : vector<1x1x676x1024xf32> to vector<676x1024xf32>
    %get3A_34 = arith.constant 0 : index
    %get3A_35 = arith.constant 3 : index
    %get3A_36 = arith.constant 0 : index
    %get3A_37 = arith.constant 0 : index
    %get3A_38 = vector.load %arg1[%get3A_34, %get3A_35, %get3A_36, %get3A_37] : memref<1x5x676x1024xf32, #tpu.memory_space<vmem>>, vector<1x1x676x1024xf32>
    %get3A_39 = vector.shape_cast %get3A_38 : vector<1x1x676x1024xf32> to vector<676x1024xf32>
    %get3A_40 = arith.constant 0 : index
    %get3A_41 = arith.constant 4 : index
    %get3A_42 = arith.constant 0 : index
    %get3A_43 = arith.constant 0 : index
    %get3A_44 = vector.load %arg1[%get3A_40, %get3A_41, %get3A_42, %get3A_43] : memref<1x5x676x1024xf32, #tpu.memory_space<vmem>>, vector<1x1x676x1024xf32>
    %get3A_45 = vector.shape_cast %get3A_44 : vector<1x1x676x1024xf32> to vector<676x1024xf32>
    %exp3A = math.exp %get3A_21 : vector<676x1024xf32>
    %add3A = arith.constant 1.000000e+00 : f32
    %add3A_46 = vector.broadcast %add3A : f32 to vector<676x1024xf32>
    %add3A_47 = arith.addf %exp3A, %add3A_46 : vector<676x1024xf32>
    %div3A = arith.constant 1.000000e+00 : f32
    %div3A_48 = vector.broadcast %div3A : f32 to vector<676x1024xf32>
    %div3A_49 = arith.divf %div3A_48, %add3A_47 : vector<676x1024xf32>
    %exp3A_50 = math.exp %get3A_27 : vector<676x1024xf32>
    %add3A_51 = arith.constant 1.000000e+00 : f32
    %add3A_52 = vector.broadcast %add3A_51 : f32 to vector<676x1024xf32>
    %add3A_53 = arith.addf %exp3A_50, %add3A_52 : vector<676x1024xf32>
    %div3A_54 = arith.constant 1.000000e+00 : f32
    %div3A_55 = vector.broadcast %div3A_54 : f32 to vector<676x1024xf32>
    %div3A_56 = arith.divf %div3A_55, %add3A_53 : vector<676x1024xf32>
    %exp3A_57 = math.exp %get3A_33 : vector<676x1024xf32>
    %sub3A = arith.constant 1.000000e+00 : f32
    %sub3A_58 = vector.broadcast %sub3A : f32 to vector<676x1024xf32>
    %sub3A_59 = arith.subf %exp3A_57, %sub3A_58 : vector<676x1024xf32>
    %exp3A_60 = math.exp %get3A_39 : vector<676x1024xf32>
    %sub3A_61 = arith.constant 1.000000e+00 : f32
    %sub3A_62 = vector.broadcast %sub3A_61 : f32 to vector<676x1024xf32>
    %sub3A_63 = arith.subf %exp3A_60, %sub3A_62 : vector<676x1024xf32>
    %exp3A_64 = math.exp %get3A_45 : vector<676x1024xf32>
    %add3A_65 = arith.constant 1.000000e+00 : f32
    %add3A_66 = vector.broadcast %add3A_65 : f32 to vector<676x1024xf32>
    %add3A_67 = arith.addf %exp3A_64, %add3A_66 : vector<676x1024xf32>
    %div3A_68 = arith.constant 1.000000e+00 : f32
    %div3A_69 = vector.broadcast %div3A_68 : f32 to vector<676x1024xf32>
    %div3A_70 = arith.divf %div3A_69, %add3A_67 : vector<676x1024xf32>
    %sub3A_71 = arith.constant 1.000000e+00 : f32
    %sub3A_72 = vector.broadcast %sub3A_71 : f32 to vector<676x1024xf32>
    %sub3A_73 = arith.subf %sub3A_72, %div3A_70 : vector<676x1024xf32>
    %sub3A_74 = arith.constant 5.000000e-01 : f32
    %sub3A_75 = vector.broadcast %sub3A_74 : f32 to vector<676x1024xf32>
    %sub3A_76 = arith.subf %sub3A_75, %div3A_49 : vector<676x1024xf32>
    %sub3A_77 = arith.constant 5.000000e-01 : f32
    %sub3A_78 = vector.broadcast %sub3A_77 : f32 to vector<676x1024xf32>
    %sub3A_79 = arith.subf %sub3A_78, %div3A_49 : vector<676x1024xf32>
    %mul3A = arith.mulf %sub3A_76, %sub3A_79 : vector<676x1024xf32>
    %sub3A_80 = arith.constant 5.000000e-01 : f32
    %sub3A_81 = vector.broadcast %sub3A_80 : f32 to vector<676x1024xf32>
    %sub3A_82 = arith.subf %sub3A_81, %div3A_56 : vector<676x1024xf32>
    %sub3A_83 = arith.constant 5.000000e-01 : f32
    %sub3A_84 = vector.broadcast %sub3A_83 : f32 to vector<676x1024xf32>
    %sub3A_85 = arith.subf %sub3A_84, %div3A_56 : vector<676x1024xf32>
    %mul3A_86 = arith.mulf %sub3A_82, %sub3A_85 : vector<676x1024xf32>
    %add3A_87 = arith.addf %mul3A, %mul3A_86 : vector<676x1024xf32>
    %reduce_sum3A = vector.shape_cast %add3A_87 : vector<676x1024xf32> to vector<1x676x1024xf32>
    %reduce_sum3A_88 = arith.constant dense<0.000000e+00> : vector<1xf32>
    %reduce_sum3A_89 = vector.multi_reduction <add>, %reduce_sum3A, %reduce_sum3A_88 [1, 2] : vector<1x676x1024xf32> to vector<1xf32>
    %reduce_sum3A_90 = vector.shape_cast %reduce_sum3A_89 : vector<1xf32> to vector<1x1x1xf32>
    %reduce_sum3A_91 = vector.extract %reduce_sum3A_90[0, 0, 0] : f32 from vector<1x1x1xf32>
    %mul3A_92 = arith.mulf %sub3A_59, %sub3A_59 : vector<676x1024xf32>
    %reduce_sum3A_93 = vector.shape_cast %mul3A_92 : vector<676x1024xf32> to vector<1x676x1024xf32>
    %reduce_sum3A_94 = arith.constant dense<0.000000e+00> : vector<1xf32>
    %reduce_sum3A_95 = vector.multi_reduction <add>, %reduce_sum3A_93, %reduce_sum3A_94 [1, 2] : vector<1x676x1024xf32> to vector<1xf32>
    %reduce_sum3A_96 = vector.shape_cast %reduce_sum3A_95 : vector<1xf32> to vector<1x1x1xf32>
    %reduce_sum3A_97 = vector.extract %reduce_sum3A_96[0, 0, 0] : f32 from vector<1x1x1xf32>
    %mul3A_98 = arith.mulf %sub3A_63, %sub3A_63 : vector<676x1024xf32>
    %reduce_sum3A_99 = vector.shape_cast %mul3A_98 : vector<676x1024xf32> to vector<1x676x1024xf32>
    %reduce_sum3A_100 = arith.constant dense<0.000000e+00> : vector<1xf32>
    %reduce_sum3A_101 = vector.multi_reduction <add>, %reduce_sum3A_99, %reduce_sum3A_100 [1, 2] : vector<1x676x1024xf32> to vector<1xf32>
    %reduce_sum3A_102 = vector.shape_cast %reduce_sum3A_101 : vector<1xf32> to vector<1x1x1xf32>
    %reduce_sum3A_103 = vector.extract %reduce_sum3A_102[0, 0, 0] : f32 from vector<1x1x1xf32>
    %mul3A_104 = arith.mulf %sub3A_73, %sub3A_73 : vector<676x1024xf32>
    %reduce_sum3A_105 = vector.shape_cast %mul3A_104 : vector<676x1024xf32> to vector<1x676x1024xf32>
    %reduce_sum3A_106 = arith.constant dense<0.000000e+00> : vector<1xf32>
    %reduce_sum3A_107 = vector.multi_reduction <add>, %reduce_sum3A_105, %reduce_sum3A_106 [1, 2] : vector<1x676x1024xf32> to vector<1xf32>
    %reduce_sum3A_108 = vector.shape_cast %reduce_sum3A_107 : vector<1xf32> to vector<1x1x1xf32>
    %reduce_sum3A_109 = vector.extract %reduce_sum3A_108[0, 0, 0] : f32 from vector<1x1x1xf32>
    %mul3A_110 = arith.constant 1.479290e-03 : f32
    %mul3A_111 = arith.mulf %reduce_sum3A_91, %mul3A_110 : f32
    %get3A_112 = arith.index_cast %arg0 : i32 to index
    %get3A_113 = memref.load %arg6[%get3A_112] : memref<5xf32, #tpu.memory_space<smem>>
    %mul3A_114 = arith.mulf %get3A_113, %reduce_sum3A_97 : f32
    %add3A_115 = arith.addf %mul3A_111, %mul3A_114 : f32
    %get3A_116 = arith.index_cast %arg0 : i32 to index
    %get3A_117 = memref.load %arg7[%get3A_116] : memref<5xf32, #tpu.memory_space<smem>>
    %mul3A_118 = arith.mulf %get3A_117, %reduce_sum3A_103 : f32
    %add3A_119 = arith.addf %add3A_115, %mul3A_118 : f32
    %mul3A_120 = arith.constant 1.250000e+00 : f32
    %mul3A_121 = arith.mulf %mul3A_120, %add3A_119 : f32
    %mul3A_122 = arith.constant 5.000000e-01 : f32
    %mul3A_123 = arith.mulf %mul3A_122, %reduce_sum3A_109 : f32
    %add3A_124 = arith.addf %mul3A_121, %mul3A_123 : f32
    %eq3A_125 = arith.constant 0 : i32
    %eq3A_126 = arith.cmpi eq, %arg0, %eq3A_125 : i32
    %get3A_127 = arith.constant 0 : index
    %get3A_128 = arith.constant 0 : index
    %get3A_129 = memref.load %arg8[%get3A_127, %get3A_128] : memref<1x1xf32, #tpu.memory_space<smem>>
    %jit3A_130 = arith.constant 0.000000e+00 : f32
    %select_n3A_131 = arith.select %eq3A_126, %jit3A_130, %get3A_129 : f32
    %add3A_132 = arith.addf %select_n3A_131, %add3A_124 : f32
    %mul3A_133 = arith.mulf %get3A_21, %select_n3A : vector<676x1024xf32>
    %reduce_sum3A_134 = arith.constant dense<0.000000e+00> : vector<1024xf32>
    %reduce_sum3A_135 = vector.multi_reduction <add>, %mul3A_133, %reduce_sum3A_134 [0] : vector<676x1024xf32> to vector<1024xf32>
    %eq3A_136 = arith.constant 0 : i32
    %eq3A_137 = arith.cmpi eq, %arg0, %eq3A_136 : i32
    %get3A_138 = arith.constant 0 : index
    %get3A_139 = arith.constant 0 : index
    %get3A_140 = vector.load %arg9[%get3A_138, %get3A_139] : memref<8x1024xf32, #tpu.memory_space<vmem>>, vector<1x1024xf32>
    %get3A_141 = vector.shape_cast %get3A_140 : vector<1x1024xf32> to vector<1024xf32>
    %add3A_142 = arith.addf %get3A_141, %reduce_sum3A_135 : vector<1024xf32>
    %select_n3A_143 = arith.select %eq3A_137, %reduce_sum3A_135, %add3A_142 : vector<1024xf32>
    %swap3A = arith.constant 0 : index
    %swap3A_144 = arith.constant 0 : index
    %swap3A_145 = vector.load %arg9[%swap3A, %swap3A_144] : memref<8x1024xf32, #tpu.memory_space<vmem>>, vector<1x1024xf32>
    %swap3A_146 = vector.shape_cast %swap3A_145 : vector<1x1024xf32> to vector<1024xf32>
    %swap3A_147 = vector.shape_cast %select_n3A_143 : vector<1024xf32> to vector<1x1024xf32>
    tpu.vector_store %arg9[%swap3A, %swap3A_144], %swap3A_147 {strides = array<i32>} : memref<8x1024xf32, #tpu.memory_space<vmem>>, vector<1x1024xf32>,
    %mul3A_148 = arith.mulf %get3A_27, %select_n3A : vector<676x1024xf32>
    %reduce_sum3A_149 = arith.constant dense<0.000000e+00> : vector<1024xf32>
    %reduce_sum3A_150 = vector.multi_reduction <add>, %mul3A_148, %reduce_sum3A_149 [0] : vector<676x1024xf32> to vector<1024xf32>
    %eq3A_151 = arith.constant 0 : i32
    %eq3A_152 = arith.cmpi eq, %arg0, %eq3A_151 : i32
    %get3A_153 = arith.constant 1 : index
    %get3A_154 = arith.constant 0 : index
    %get3A_155 = vector.load %arg9[%get3A_153, %get3A_154] : memref<8x1024xf32, #tpu.memory_space<vmem>>, vector<1x1024xf32>
    %get3A_156 = vector.shape_cast %get3A_155 : vector<1x1024xf32> to vector<1024xf32>
    %add3A_157 = arith.addf %get3A_156, %reduce_sum3A_150 : vector<1024xf32>
    %select_n3A_158 = arith.select %eq3A_152, %reduce_sum3A_150, %add3A_157 : vector<1024xf32>
    %swap3A_159 = arith.constant 1 : index
    %swap3A_160 = arith.constant 0 : index
    %swap3A_161 = vector.load %arg9[%swap3A_159, %swap3A_160] : memref<8x1024xf32, #tpu.memory_space<vmem>>, vector<1x1024xf32>
    %swap3A_162 = vector.shape_cast %swap3A_161 : vector<1x1024xf32> to vector<1024xf32>
    %swap3A_163 = vector.shape_cast %select_n3A_158 : vector<1024xf32> to vector<1x1024xf32>
    tpu.vector_store %arg9[%swap3A_159, %swap3A_160], %swap3A_163 {strides = array<i32>} : memref<8x1024xf32, #tpu.memory_space<vmem>>, vector<1x1024xf32>,
    %mul3A_164 = arith.mulf %get3A_33, %select_n3A : vector<676x1024xf32>
    %reduce_sum3A_165 = arith.constant dense<0.000000e+00> : vector<1024xf32>
    %reduce_sum3A_166 = vector.multi_reduction <add>, %mul3A_164, %reduce_sum3A_165 [0] : vector<676x1024xf32> to vector<1024xf32>
    %eq3A_167 = arith.constant 0 : i32
    %eq3A_168 = arith.cmpi eq, %arg0, %eq3A_167 : i32
    %get3A_169 = arith.constant 2 : index
    %get3A_170 = arith.constant 0 : index
    %get3A_171 = vector.load %arg9[%get3A_169, %get3A_170] : memref<8x1024xf32, #tpu.memory_space<vmem>>, vector<1x1024xf32>
    %get3A_172 = vector.shape_cast %get3A_171 : vector<1x1024xf32> to vector<1024xf32>
    %add3A_173 = arith.addf %get3A_172, %reduce_sum3A_166 : vector<1024xf32>
    %select_n3A_174 = arith.select %eq3A_168, %reduce_sum3A_166, %add3A_173 : vector<1024xf32>
    %swap3A_175 = arith.constant 2 : index
    %swap3A_176 = arith.constant 0 : index
    %swap3A_177 = vector.load %arg9[%swap3A_175, %swap3A_176] : memref<8x1024xf32, #tpu.memory_space<vmem>>, vector<1x1024xf32>
    %swap3A_178 = vector.shape_cast %swap3A_177 : vector<1x1024xf32> to vector<1024xf32>
    %swap3A_179 = vector.shape_cast %select_n3A_174 : vector<1024xf32> to vector<1x1024xf32>
    tpu.vector_store %arg9[%swap3A_175, %swap3A_176], %swap3A_179 {strides = array<i32>} : memref<8x1024xf32, #tpu.memory_space<vmem>>, vector<1x1024xf32>,
    %mul3A_180 = arith.mulf %get3A_39, %select_n3A : vector<676x1024xf32>
    %reduce_sum3A_181 = arith.constant dense<0.000000e+00> : vector<1024xf32>
    %reduce_sum3A_182 = vector.multi_reduction <add>, %mul3A_180, %reduce_sum3A_181 [0] : vector<676x1024xf32> to vector<1024xf32>
    %eq3A_183 = arith.constant 0 : i32
    %eq3A_184 = arith.cmpi eq, %arg0, %eq3A_183 : i32
    %get3A_185 = arith.constant 3 : index
    %get3A_186 = arith.constant 0 : index
    %get3A_187 = vector.load %arg9[%get3A_185, %get3A_186] : memref<8x1024xf32, #tpu.memory_space<vmem>>, vector<1x1024xf32>
    %get3A_188 = vector.shape_cast %get3A_187 : vector<1x1024xf32> to vector<1024xf32>
    %add3A_189 = arith.addf %get3A_188, %reduce_sum3A_182 : vector<1024xf32>
    %select_n3A_190 = arith.select %eq3A_184, %reduce_sum3A_182, %add3A_189 : vector<1024xf32>
    %swap3A_191 = arith.constant 3 : index
    %swap3A_192 = arith.constant 0 : index
    %swap3A_193 = vector.load %arg9[%swap3A_191, %swap3A_192] : memref<8x1024xf32, #tpu.memory_space<vmem>>, vector<1x1024xf32>
    %swap3A_194 = vector.shape_cast %swap3A_193 : vector<1x1024xf32> to vector<1024xf32>
    %swap3A_195 = vector.shape_cast %select_n3A_190 : vector<1024xf32> to vector<1x1024xf32>
    tpu.vector_store %arg9[%swap3A_191, %swap3A_192], %swap3A_195 {strides = array<i32>} : memref<8x1024xf32, #tpu.memory_space<vmem>>, vector<1x1024xf32>,
    %mul3A_196 = arith.mulf %get3A_45, %select_n3A : vector<676x1024xf32>
    %reduce_sum3A_197 = arith.constant dense<0.000000e+00> : vector<1024xf32>
    %reduce_sum3A_198 = vector.multi_reduction <add>, %mul3A_196, %reduce_sum3A_197 [0] : vector<676x1024xf32> to vector<1024xf32>
    %eq3A_199 = arith.constant 0 : i32
    %eq3A_200 = arith.cmpi eq, %arg0, %eq3A_199 : i32
    %get3A_201 = arith.constant 4 : index
    %get3A_202 = arith.constant 0 : index
    %get3A_203 = vector.load %arg9[%get3A_201, %get3A_202] : memref<8x1024xf32, #tpu.memory_space<vmem>>, vector<1x1024xf32>
    %get3A_204 = vector.shape_cast %get3A_203 : vector<1x1024xf32> to vector<1024xf32>
    %add3A_205 = arith.addf %get3A_204, %reduce_sum3A_198 : vector<1024xf32>
    %select_n3A_206 = arith.select %eq3A_200, %reduce_sum3A_198, %add3A_205 : vector<1024xf32>
    %swap3A_207 = arith.constant 4 : index
    %swap3A_208 = arith.constant 0 : index
    %swap3A_209 = vector.load %arg9[%swap3A_207, %swap3A_208] : memref<8x1024xf32, #tpu.memory_space<vmem>>, vector<1x1024xf32>
    %swap3A_210 = vector.shape_cast %swap3A_209 : vector<1x1024xf32> to vector<1024xf32>
    %swap3A_211 = vector.shape_cast %select_n3A_206 : vector<1024xf32> to vector<1x1024xf32>
    tpu.vector_store %arg9[%swap3A_207, %swap3A_208], %swap3A_211 {strides = array<i32>} : memref<8x1024xf32, #tpu.memory_space<vmem>>, vector<1x1024xf32>,
    %lt3A = arith.constant 4 : i32
    %lt3A_212 = arith.cmpi slt, %arg0, %lt3A : i32
    %convert_element_type3A_213 = arith.extui %lt3A_212 : i1 to i32
    %cond3A = arith.constant 0 : i32
    %cond3A_214 = arith.cmpi ne, %convert_element_type3A_213, %cond3A : i32
    scf.if %cond3A_214 {
      %swap3A_220 = arith.constant 0 : index
      %swap3A_221 = arith.constant 0 : index
      %swap3A_222 = memref.load %arg8[%swap3A_220, %swap3A_221] : memref<1x1xf32, #tpu.memory_space<smem>>
      memref.store %add3A_132, %arg8[%swap3A_220, %swap3A_221] : memref<1x1xf32, #tpu.memory_space<smem>>
    } else {
    }
    %eq3A_215 = arith.constant 4 : i32
    %eq3A_216 = arith.cmpi eq, %arg0, %eq3A_215 : i32
    %convert_element_type3A_217 = arith.extui %eq3A_216 : i1 to i32
    %cond3A_218 = arith.constant 0 : i32
    %cond3A_219 = arith.cmpi ne, %convert_element_type3A_217, %cond3A_218 : i32
    scf.if %cond3A_219 {
      %get3A_220 = arith.constant 0 : index
      %get3A_221 = arith.constant 0 : index
      %get3A_222 = vector.load %arg9[%get3A_220, %get3A_221] : memref<8x1024xf32, #tpu.memory_space<vmem>>, vector<1x1024xf32>
      %get3A_223 = vector.shape_cast %get3A_222 : vector<1x1024xf32> to vector<1024xf32>
      %get3A_224 = arith.constant 1 : index
      %get3A_225 = arith.constant 0 : index
      %get3A_226 = vector.load %arg9[%get3A_224, %get3A_225] : memref<8x1024xf32, #tpu.memory_space<vmem>>, vector<1x1024xf32>
      %get3A_227 = vector.shape_cast %get3A_226 : vector<1x1024xf32> to vector<1024xf32>
      %get3A_228 = arith.constant 2 : index
      %get3A_229 = arith.constant 0 : index
      %get3A_230 = vector.load %arg9[%get3A_228, %get3A_229] : memref<8x1024xf32, #tpu.memory_space<vmem>>, vector<1x1024xf32>
      %get3A_231 = vector.shape_cast %get3A_230 : vector<1x1024xf32> to vector<1024xf32>
      %get3A_232 = arith.constant 3 : index
      %get3A_233 = arith.constant 0 : index
      %get3A_234 = vector.load %arg9[%get3A_232, %get3A_233] : memref<8x1024xf32, #tpu.memory_space<vmem>>, vector<1x1024xf32>
      %get3A_235 = vector.shape_cast %get3A_234 : vector<1x1024xf32> to vector<1024xf32>
      %get3A_236 = arith.constant 4 : index
      %get3A_237 = arith.constant 0 : index
      %get3A_238 = vector.load %arg9[%get3A_236, %get3A_237] : memref<8x1024xf32, #tpu.memory_space<vmem>>, vector<1x1024xf32>
      %get3A_239 = vector.shape_cast %get3A_238 : vector<1x1024xf32> to vector<1024xf32>
      %get3A_240 = arith.constant 0 : index
      %get3A_241 = arith.constant 0 : index
      %get3A_242 = vector.load %arg3[%get3A_240, %get3A_241] : memref<4x1024xf32, #tpu.memory_space<vmem>>, vector<1x1024xf32>
      %get3A_243 = vector.shape_cast %get3A_242 : vector<1x1024xf32> to vector<1024xf32>
      %get3A_244 = arith.constant 1 : index
      %get3A_245 = arith.constant 0 : index
      %get3A_246 = vector.load %arg3[%get3A_244, %get3A_245] : memref<4x1024xf32, #tpu.memory_space<vmem>>, vector<1x1024xf32>
      %get3A_247 = vector.shape_cast %get3A_246 : vector<1x1024xf32> to vector<1024xf32>
      %get3A_248 = arith.constant 2 : index
      %get3A_249 = arith.constant 0 : index
      %get3A_250 = vector.load %arg3[%get3A_248, %get3A_249] : memref<4x1024xf32, #tpu.memory_space<vmem>>, vector<1x1024xf32>
      %get3A_251 = vector.shape_cast %get3A_250 : vector<1x1024xf32> to vector<1024xf32>
      %get3A_252 = arith.constant 3 : index
      %get3A_253 = arith.constant 0 : index
      %get3A_254 = vector.load %arg3[%get3A_252, %get3A_253] : memref<4x1024xf32, #tpu.memory_space<vmem>>, vector<1x1024xf32>
      %get3A_255 = vector.shape_cast %get3A_254 : vector<1x1024xf32> to vector<1024xf32>
      %mul3A_256 = arith.constant 0.0384615399 : f32
      %mul3A_257 = vector.broadcast %mul3A_256 : f32 to vector<1024xf32>
      %mul3A_258 = arith.mulf %get3A_2, %mul3A_257 : vector<1024xf32>
      %floor3A = math.floor %mul3A_258 : vector<1024xf32>
      %mul3A_259 = arith.constant 2.600000e+01 : f32
      %mul3A_260 = vector.broadcast %mul3A_259 : f32 to vector<1024xf32>
      %mul3A_261 = arith.mulf %mul3A_260, %floor3A : vector<1024xf32>
      %sub3A_262 = arith.subf %get3A_2, %mul3A_261 : vector<1024xf32>
      %exp3A_263 = math.exp %get3A_223 : vector<1024xf32>
      %exp3A_264 = math.exp %get3A_227 : vector<1024xf32>
      %exp3A_265 = math.exp %get3A_231 : vector<1024xf32>
      %exp3A_266 = math.exp %get3A_235 : vector<1024xf32>
      %exp3A_267 = math.exp %get3A_239 : vector<1024xf32>
      %add3A_268 = arith.constant 1.000000e+00 : f32
      %add3A_269 = vector.broadcast %add3A_268 : f32 to vector<1024xf32>
      %add3A_270 = arith.addf %exp3A_263, %add3A_269 : vector<1024xf32>
      %div3A_271 = arith.constant 1.000000e+00 : f32
      %div3A_272 = vector.broadcast %div3A_271 : f32 to vector<1024xf32>
      %div3A_273 = arith.divf %div3A_272, %add3A_270 : vector<1024xf32>
      %add3A_274 = arith.constant 1.000000e+00 : f32
      %add3A_275 = vector.broadcast %add3A_274 : f32 to vector<1024xf32>
      %add3A_276 = arith.addf %exp3A_264, %add3A_275 : vector<1024xf32>
      %div3A_277 = arith.constant 1.000000e+00 : f32
      %div3A_278 = vector.broadcast %div3A_277 : f32 to vector<1024xf32>
      %div3A_279 = arith.divf %div3A_278, %add3A_276 : vector<1024xf32>
      %add3A_280 = arith.constant 1.000000e+00 : f32
      %add3A_281 = vector.broadcast %add3A_280 : f32 to vector<1024xf32>
      %add3A_282 = arith.addf %exp3A_267, %add3A_281 : vector<1024xf32>
      %div3A_283 = arith.constant 1.000000e+00 : f32
      %div3A_284 = vector.broadcast %div3A_283 : f32 to vector<1024xf32>
      %div3A_285 = arith.divf %div3A_284, %add3A_282 : vector<1024xf32>
      %sub3A_286 = arith.constant 1.000000e+00 : f32
      %sub3A_287 = vector.broadcast %sub3A_286 : f32 to vector<1024xf32>
      %sub3A_288 = arith.subf %sub3A_287, %div3A_285 : vector<1024xf32>
      %broadcast_in_dim3A_289 = arith.constant 0.000000e+00 : f32
      %broadcast_in_dim3A_290 = vector.broadcast %broadcast_in_dim3A_289 : f32 to vector<1024xf32>
      %broadcast_in_dim3A_291 = arith.constant 0.000000e+00 : f32
      %broadcast_in_dim3A_292 = vector.broadcast %broadcast_in_dim3A_291 : f32 to vector<1024xf32>
      %eq3A_293 = arith.constant 0.000000e+00 : f32
      %eq3A_294 = vector.broadcast %eq3A_293 : f32 to vector<1024xf32>
      %eq3A_295 = arith.cmpf oeq, %get3A_6, %eq3A_294 : vector<1024xf32>
      %get3A_296 = arith.constant 0 : index
      %get3A_297 = memref.load %arg4[%get3A_296] : memref<5xf32, #tpu.memory_space<smem>>
      %broadcast_in_dim3A_298 = vector.broadcast %get3A_297 : f32 to vector<1024xf32>
      %select_n3A_299 = arith.select %eq3A_295, %broadcast_in_dim3A_298, %broadcast_in_dim3A_290 : vector<1024xi1>, vector<1024xf32>
      %get3A_300 = arith.constant 0 : index
      %get3A_301 = memref.load %arg5[%get3A_300] : memref<5xf32, #tpu.memory_space<smem>>
      %broadcast_in_dim3A_302 = vector.broadcast %get3A_301 : f32 to vector<1024xf32>
      %select_n3A_303 = arith.select %eq3A_295, %broadcast_in_dim3A_302, %broadcast_in_dim3A_292 : vector<1024xi1>, vector<1024xf32>
      %eq3A_304 = arith.constant 1.000000e+00 : f32
      %eq3A_305 = vector.broadcast %eq3A_304 : f32 to vector<1024xf32>
      %eq3A_306 = arith.cmpf oeq, %get3A_6, %eq3A_305 : vector<1024xf32>
      %get3A_307 = arith.constant 1 : index
      %get3A_308 = memref.load %arg4[%get3A_307] : memref<5xf32, #tpu.memory_space<smem>>
      %broadcast_in_dim3A_309 = vector.broadcast %get3A_308 : f32 to vector<1024xf32>
      %select_n3A_310 = arith.select %eq3A_306, %broadcast_in_dim3A_309, %select_n3A_299 : vector<1024xi1>, vector<1024xf32>
      %get3A_311 = arith.constant 1 : index
      %get3A_312 = memref.load %arg5[%get3A_311] : memref<5xf32, #tpu.memory_space<smem>>
      %broadcast_in_dim3A_313 = vector.broadcast %get3A_312 : f32 to vector<1024xf32>
      %select_n3A_314 = arith.select %eq3A_306, %broadcast_in_dim3A_313, %select_n3A_303 : vector<1024xi1>, vector<1024xf32>
      %eq3A_315 = arith.constant 2.000000e+00 : f32
      %eq3A_316 = vector.broadcast %eq3A_315 : f32 to vector<1024xf32>
      %eq3A_317 = arith.cmpf oeq, %get3A_6, %eq3A_316 : vector<1024xf32>
      %get3A_318 = arith.constant 2 : index
      %get3A_319 = memref.load %arg4[%get3A_318] : memref<5xf32, #tpu.memory_space<smem>>
      %broadcast_in_dim3A_320 = vector.broadcast %get3A_319 : f32 to vector<1024xf32>
      %select_n3A_321 = arith.select %eq3A_317, %broadcast_in_dim3A_320, %select_n3A_310 : vector<1024xi1>, vector<1024xf32>
      %get3A_322 = arith.constant 2 : index
      %get3A_323 = memref.load %arg5[%get3A_322] : memref<5xf32, #tpu.memory_space<smem>>
      %broadcast_in_dim3A_324 = vector.broadcast %get3A_323 : f32 to vector<1024xf32>
      %select_n3A_325 = arith.select %eq3A_317, %broadcast_in_dim3A_324, %select_n3A_314 : vector<1024xi1>, vector<1024xf32>
      %eq3A_326 = arith.constant 3.000000e+00 : f32
      %eq3A_327 = vector.broadcast %eq3A_326 : f32 to vector<1024xf32>
      %eq3A_328 = arith.cmpf oeq, %get3A_6, %eq3A_327 : vector<1024xf32>
      %get3A_329 = arith.constant 3 : index
      %get3A_330 = memref.load %arg4[%get3A_329] : memref<5xf32, #tpu.memory_space<smem>>
      %broadcast_in_dim3A_331 = vector.broadcast %get3A_330 : f32 to vector<1024xf32>
      %select_n3A_332 = arith.select %eq3A_328, %broadcast_in_dim3A_331, %select_n3A_321 : vector<1024xi1>, vector<1024xf32>
      %get3A_333 = arith.constant 3 : index
      %get3A_334 = memref.load %arg5[%get3A_333] : memref<5xf32, #tpu.memory_space<smem>>
      %broadcast_in_dim3A_335 = vector.broadcast %get3A_334 : f32 to vector<1024xf32>
      %select_n3A_336 = arith.select %eq3A_328, %broadcast_in_dim3A_335, %select_n3A_325 : vector<1024xi1>, vector<1024xf32>
      %eq3A_337 = arith.constant 4.000000e+00 : f32
      %eq3A_338 = vector.broadcast %eq3A_337 : f32 to vector<1024xf32>
      %eq3A_339 = arith.cmpf oeq, %get3A_6, %eq3A_338 : vector<1024xf32>
      %get3A_340 = arith.constant 4 : index
      %get3A_341 = memref.load %arg4[%get3A_340] : memref<5xf32, #tpu.memory_space<smem>>
      %broadcast_in_dim3A_342 = vector.broadcast %get3A_341 : f32 to vector<1024xf32>
      %select_n3A_343 = arith.select %eq3A_339, %broadcast_in_dim3A_342, %select_n3A_332 : vector<1024xi1>, vector<1024xf32>
      %get3A_344 = arith.constant 4 : index
      %get3A_345 = memref.load %arg5[%get3A_344] : memref<5xf32, #tpu.memory_space<smem>>
      %broadcast_in_dim3A_346 = vector.broadcast %get3A_345 : f32 to vector<1024xf32>
      %select_n3A_347 = arith.select %eq3A_339, %broadcast_in_dim3A_346, %select_n3A_336 : vector<1024xi1>, vector<1024xf32>
      %sub3A_348 = arith.constant 1.000000e+00 : f32
      %sub3A_349 = vector.broadcast %sub3A_348 : f32 to vector<1024xf32>
      %sub3A_350 = arith.subf %sub3A_349, %div3A_273 : vector<1024xf32>
      %add3A_351 = arith.addf %floor3A, %sub3A_350 : vector<1024xf32>
      %mul3A_352 = arith.constant 0.0384615399 : f32
      %mul3A_353 = vector.broadcast %mul3A_352 : f32 to vector<1024xf32>
      %mul3A_354 = arith.mulf %add3A_351, %mul3A_353 : vector<1024xf32>
      %sub3A_355 = arith.constant 1.000000e+00 : f32
      %sub3A_356 = vector.broadcast %sub3A_355 : f32 to vector<1024xf32>
      %sub3A_357 = arith.subf %sub3A_356, %div3A_279 : vector<1024xf32>
      %add3A_358 = arith.addf %sub3A_262, %sub3A_357 : vector<1024xf32>
      %mul3A_359 = arith.constant 0.0384615399 : f32
      %mul3A_360 = vector.broadcast %mul3A_359 : f32 to vector<1024xf32>
      %mul3A_361 = arith.mulf %add3A_358, %mul3A_360 : vector<1024xf32>
      %mul3A_362 = arith.mulf %select_n3A_343, %exp3A_265 : vector<1024xf32>
      %mul3A_363 = arith.mulf %select_n3A_347, %exp3A_266 : vector<1024xf32>
      %sub3A_364 = arith.subf %mul3A_354, %get3A_243 : vector<1024xf32>
      %sub3A_365 = arith.subf %mul3A_354, %get3A_243 : vector<1024xf32>
      %mul3A_366 = arith.mulf %sub3A_364, %sub3A_365 : vector<1024xf32>
      %sub3A_367 = arith.subf %mul3A_361, %get3A_247 : vector<1024xf32>
      %sub3A_368 = arith.subf %mul3A_361, %get3A_247 : vector<1024xf32>
      %mul3A_369 = arith.mulf %sub3A_367, %sub3A_368 : vector<1024xf32>
      %add3A_370 = arith.addf %mul3A_366, %mul3A_369 : vector<1024xf32>
      %sub3A_371 = arith.subf %mul3A_362, %get3A_251 : vector<1024xf32>
      %sub3A_372 = arith.subf %mul3A_362, %get3A_251 : vector<1024xf32>
      %mul3A_373 = arith.mulf %sub3A_371, %sub3A_372 : vector<1024xf32>
      %add3A_374 = arith.addf %add3A_370, %mul3A_373 : vector<1024xf32>
      %sub3A_375 = arith.subf %mul3A_363, %get3A_255 : vector<1024xf32>
      %sub3A_376 = arith.subf %mul3A_363, %get3A_255 : vector<1024xf32>
      %mul3A_377 = arith.mulf %sub3A_375, %sub3A_376 : vector<1024xf32>
      %add3A_378 = arith.addf %add3A_374, %mul3A_377 : vector<1024xf32>
      %mul3A_379 = arith.constant 5.000000e-01 : f32
      %mul3A_380 = vector.broadcast %mul3A_379 : f32 to vector<1024xf32>
      %mul3A_381 = arith.mulf %get3A_251, %mul3A_380 : vector<1024xf32>
      %sub3A_382 = arith.subf %get3A_243, %mul3A_381 : vector<1024xf32>
      %max3A = arith.constant 0.000000e+00 : f32
      %max3A_383 = vector.broadcast %max3A : f32 to vector<1024xf32>
      %max3A_384 = arith.maximumf %sub3A_382, %max3A_383 : vector<1024xf32>
      %mul3A_385 = arith.constant 5.000000e-01 : f32
      %mul3A_386 = vector.broadcast %mul3A_385 : f32 to vector<1024xf32>
      %mul3A_387 = arith.mulf %get3A_255, %mul3A_386 : vector<1024xf32>
      %sub3A_388 = arith.subf %get3A_247, %mul3A_387 : vector<1024xf32>
      %max3A_389 = arith.constant 0.000000e+00 : f32
      %max3A_390 = vector.broadcast %max3A_389 : f32 to vector<1024xf32>
      %max3A_391 = arith.maximumf %sub3A_388, %max3A_390 : vector<1024xf32>
      %mul3A_392 = arith.constant 5.000000e-01 : f32
      %mul3A_393 = vector.broadcast %mul3A_392 : f32 to vector<1024xf32>
      %mul3A_394 = arith.mulf %get3A_251, %mul3A_393 : vector<1024xf32>
      %add3A_395 = arith.addf %get3A_243, %mul3A_394 : vector<1024xf32>
      %min3A = arith.constant 1.000000e+00 : f32
      %min3A_396 = vector.broadcast %min3A : f32 to vector<1024xf32>
      %min3A_397 = arith.minimumf %add3A_395, %min3A_396 : vector<1024xf32>
      %mul3A_398 = arith.constant 5.000000e-01 : f32
      %mul3A_399 = vector.broadcast %mul3A_398 : f32 to vector<1024xf32>
      %mul3A_400 = arith.mulf %get3A_255, %mul3A_399 : vector<1024xf32>
      %add3A_401 = arith.addf %get3A_247, %mul3A_400 : vector<1024xf32>
      %min3A_402 = arith.constant 1.000000e+00 : f32
      %min3A_403 = vector.broadcast %min3A_402 : f32 to vector<1024xf32>
      %min3A_404 = arith.minimumf %add3A_401, %min3A_403 : vector<1024xf32>
      %mul3A_405 = arith.constant 5.000000e-01 : f32
      %mul3A_406 = vector.broadcast %mul3A_405 : f32 to vector<1024xf32>
      %mul3A_407 = arith.mulf %mul3A_362, %mul3A_406 : vector<1024xf32>
      %sub3A_408 = arith.subf %mul3A_354, %mul3A_407 : vector<1024xf32>
      %max3A_409 = arith.constant 0.000000e+00 : f32
      %max3A_410 = vector.broadcast %max3A_409 : f32 to vector<1024xf32>
      %max3A_411 = arith.maximumf %sub3A_408, %max3A_410 : vector<1024xf32>
      %mul3A_412 = arith.constant 5.000000e-01 : f32
      %mul3A_413 = vector.broadcast %mul3A_412 : f32 to vector<1024xf32>
      %mul3A_414 = arith.mulf %mul3A_363, %mul3A_413 : vector<1024xf32>
      %sub3A_415 = arith.subf %mul3A_361, %mul3A_414 : vector<1024xf32>
      %max3A_416 = arith.constant 0.000000e+00 : f32
      %max3A_417 = vector.broadcast %max3A_416 : f32 to vector<1024xf32>
      %max3A_418 = arith.maximumf %sub3A_415, %max3A_417 : vector<1024xf32>
      %mul3A_419 = arith.constant 5.000000e-01 : f32
      %mul3A_420 = vector.broadcast %mul3A_419 : f32 to vector<1024xf32>
      %mul3A_421 = arith.mulf %mul3A_362, %mul3A_420 : vector<1024xf32>
      %add3A_422 = arith.addf %mul3A_354, %mul3A_421 : vector<1024xf32>
      %min3A_423 = arith.constant 1.000000e+00 : f32
      %min3A_424 = vector.broadcast %min3A_423 : f32 to vector<1024xf32>
      %min3A_425 = arith.minimumf %add3A_422, %min3A_424 : vector<1024xf32>
      %mul3A_426 = arith.constant 5.000000e-01 : f32
      %mul3A_427 = vector.broadcast %mul3A_426 : f32 to vector<1024xf32>
      %mul3A_428 = arith.mulf %mul3A_363, %mul3A_427 : vector<1024xf32>
      %add3A_429 = arith.addf %mul3A_361, %mul3A_428 : vector<1024xf32>
      %min3A_430 = arith.constant 1.000000e+00 : f32
      %min3A_431 = vector.broadcast %min3A_430 : f32 to vector<1024xf32>
      %min3A_432 = arith.minimumf %add3A_429, %min3A_431 : vector<1024xf32>
      %min3A_433 = arith.minimumf %min3A_397, %min3A_425 : vector<1024xf32>
      %max3A_434 = arith.maximumf %max3A_384, %max3A_411 : vector<1024xf32>
      %sub3A_435 = arith.subf %min3A_433, %max3A_434 : vector<1024xf32>
      %max3A_436 = arith.constant 0.000000e+00 : f32
      %max3A_437 = vector.broadcast %max3A_436 : f32 to vector<1024xf32>
      %max3A_438 = arith.maximumf %sub3A_435, %max3A_437 : vector<1024xf32>
      %min3A_439 = arith.minimumf %min3A_404, %min3A_432 : vector<1024xf32>
      %max3A_440 = arith.maximumf %max3A_391, %max3A_418 : vector<1024xf32>
      %sub3A_441 = arith.subf %min3A_439, %max3A_440 : vector<1024xf32>
      %max3A_442 = arith.constant 0.000000e+00 : f32
      %max3A_443 = vector.broadcast %max3A_442 : f32 to vector<1024xf32>
      %max3A_444 = arith.maximumf %sub3A_441, %max3A_443 : vector<1024xf32>
      %mul3A_445 = arith.mulf %max3A_438, %max3A_444 : vector<1024xf32>
      %mul3A_446 = arith.mulf %get3A_251, %get3A_255 : vector<1024xf32>
      %mul3A_447 = arith.mulf %mul3A_362, %mul3A_363 : vector<1024xf32>
      %add3A_448 = arith.addf %mul3A_446, %mul3A_447 : vector<1024xf32>
      %sub3A_449 = arith.subf %add3A_448, %mul3A_445 : vector<1024xf32>
      %div3A_450 = arith.divf %mul3A_445, %sub3A_449 : vector<1024xf32>
      %sub3A_451 = arith.subf %sub3A_288, %div3A_450 : vector<1024xf32>
      %sub3A_452 = arith.subf %sub3A_288, %div3A_450 : vector<1024xf32>
      %mul3A_453 = arith.mulf %sub3A_451, %sub3A_452 : vector<1024xf32>
      %sub3A_454 = arith.constant 1.000000e+00 : f32
      %sub3A_455 = vector.broadcast %sub3A_454 : f32 to vector<1024xf32>
      %sub3A_456 = arith.subf %exp3A_263, %sub3A_455 : vector<1024xf32>
      %sub3A_457 = arith.constant 1.000000e+00 : f32
      %sub3A_458 = vector.broadcast %sub3A_457 : f32 to vector<1024xf32>
      %sub3A_459 = arith.subf %exp3A_264, %sub3A_458 : vector<1024xf32>
      %mul3A_460 = arith.mulf %sub3A_456, %div3A_273 : vector<1024xf32>
      %mul3A_461 = arith.mulf %sub3A_459, %div3A_279 : vector<1024xf32>
      %sub3A_462 = arith.constant 1.000000e+00 : f32
      %sub3A_463 = vector.broadcast %sub3A_462 : f32 to vector<1024xf32>
      %sub3A_464 = arith.subf %exp3A_265, %sub3A_463 : vector<1024xf32>
      %mul3A_465 = arith.mulf %select_n3A_343, %sub3A_464 : vector<1024xf32>
      %sub3A_466 = arith.constant 1.000000e+00 : f32
      %sub3A_467 = vector.broadcast %sub3A_466 : f32 to vector<1024xf32>
      %sub3A_468 = arith.subf %exp3A_266, %sub3A_467 : vector<1024xf32>
      %mul3A_469 = arith.mulf %select_n3A_347, %sub3A_468 : vector<1024xf32>
      %mul3A_470 = arith.mulf %mul3A_460, %mul3A_460 : vector<1024xf32>
      %mul3A_471 = arith.mulf %mul3A_461, %mul3A_461 : vector<1024xf32>
      %add3A_472 = arith.addf %mul3A_470, %mul3A_471 : vector<1024xf32>
      %mul3A_473 = arith.constant 3.6982249E-4 : f32
      %mul3A_474 = vector.broadcast %mul3A_473 : f32 to vector<1024xf32>
      %mul3A_475 = arith.mulf %add3A_472, %mul3A_474 : vector<1024xf32>
      %mul3A_476 = arith.mulf %mul3A_465, %mul3A_465 : vector<1024xf32>
      %add3A_477 = arith.addf %mul3A_475, %mul3A_476 : vector<1024xf32>
      %mul3A_478 = arith.mulf %mul3A_469, %mul3A_469 : vector<1024xf32>
      %add3A_479 = arith.addf %add3A_477, %mul3A_478 : vector<1024xf32>
      %mul3A_480 = arith.constant 1.250000e+00 : f32
      %mul3A_481 = vector.broadcast %mul3A_480 : f32 to vector<1024xf32>
      %mul3A_482 = arith.mulf %mul3A_481, %add3A_479 : vector<1024xf32>
      %mul3A_483 = arith.mulf %sub3A_288, %sub3A_288 : vector<1024xf32>
      %mul3A_484 = arith.constant 5.000000e-01 : f32
      %mul3A_485 = vector.broadcast %mul3A_484 : f32 to vector<1024xf32>
      %mul3A_486 = arith.mulf %mul3A_485, %mul3A_483 : vector<1024xf32>
      %add3A_487 = arith.addf %mul3A_482, %mul3A_486 : vector<1024xf32>
      %reduce_sum3A_488 = vector.shape_cast %add3A_378 : vector<1024xf32> to vector<1x1024xf32>
      %reduce_sum3A_489 = arith.constant dense<0.000000e+00> : vector<1xf32>
      %reduce_sum3A_490 = vector.multi_reduction <add>, %reduce_sum3A_488, %reduce_sum3A_489 [1] : vector<1x1024xf32> to vector<1xf32>
      %reduce_sum3A_491 = vector.shape_cast %reduce_sum3A_490 : vector<1xf32> to vector<1x1xf32>
      %reduce_sum3A_492 = vector.extract %reduce_sum3A_491[0, 0] : f32 from vector<1x1xf32>
      %mul3A_493 = arith.constant 0.00122070313 : f32
      %mul3A_494 = arith.mulf %mul3A_493, %reduce_sum3A_492 : f32
      %reduce_sum3A_495 = vector.shape_cast %mul3A_453 : vector<1024xf32> to vector<1x1024xf32>
      %reduce_sum3A_496 = arith.constant dense<0.000000e+00> : vector<1xf32>
      %reduce_sum3A_497 = vector.multi_reduction <add>, %reduce_sum3A_495, %reduce_sum3A_496 [1] : vector<1x1024xf32> to vector<1xf32>
      %reduce_sum3A_498 = vector.shape_cast %reduce_sum3A_497 : vector<1xf32> to vector<1x1xf32>
      %reduce_sum3A_499 = vector.extract %reduce_sum3A_498[0, 0] : f32 from vector<1x1xf32>
      %div3A_500 = arith.constant 1.024000e+03 : f32
      %div3A_501 = arith.divf %reduce_sum3A_499, %div3A_500 : f32
      %add3A_502 = arith.addf %mul3A_494, %div3A_501 : f32
      %reduce_sum3A_503 = vector.shape_cast %add3A_487 : vector<1024xf32> to vector<1x1024xf32>
      %reduce_sum3A_504 = arith.constant dense<0.000000e+00> : vector<1xf32>
      %reduce_sum3A_505 = vector.multi_reduction <add>, %reduce_sum3A_503, %reduce_sum3A_504 [1] : vector<1x1024xf32> to vector<1xf32>
      %reduce_sum3A_506 = vector.shape_cast %reduce_sum3A_505 : vector<1xf32> to vector<1x1xf32>
      %reduce_sum3A_507 = vector.extract %reduce_sum3A_506[0, 0] : f32 from vector<1x1xf32>
      %sub3A_508 = arith.subf %add3A_132, %reduce_sum3A_507 : f32
      %div3A_509 = arith.constant 0x4A533000 : f32
      %div3A_510 = arith.divf %sub3A_508, %div3A_509 : f32
      %add3A_511 = arith.addf %add3A_502, %div3A_510 : f32
      %swap3A_512 = arith.constant 0 : index
      %swap3A_513 = arith.constant 0 : index
      %swap3A_514 = memref.load %arg8[%swap3A_512, %swap3A_513] : memref<1x1xf32, #tpu.memory_space<smem>>
      memref.store %add3A_511, %arg8[%swap3A_512, %swap3A_513] : memref<1x1xf32, #tpu.memory_space<smem>>
    } else {
    }
    return
  }
  func.func @transform_0(%arg0: i32) -> (i32, i32, i32, i32) {
    %c0_i32 = arith.constant 0 : i32
    %c0_i32_0 = arith.constant 0 : i32
    %c0_i32_1 = arith.constant 0 : i32
    %c0_i32_2 = arith.constant 0 : i32
    return %arg0, %c0_i32, %c0_i32_0, %c0_i32_1 : i32, i32, i32, i32
  }
  func.func @transform_1(%arg0: i32) -> (i32, i32) {
    %c0_i32 = arith.constant 0 : i32
    %c0_i32_0 = arith.constant 0 : i32
    %c0_i32_1 = arith.constant 0 : i32
    return %c0_i32, %c0_i32_0 : i32, i32
  }
  func.func @transform_2(%arg0: i32) -> (i32, i32) {
    %c0_i32 = arith.constant 0 : i32
    %c0_i32_0 = arith.constant 0 : i32
    %c0_i32_1 = arith.constant 0 : i32
    return %c0_i32, %c0_i32_0 : i32, i32
  }
  func.func @transform_3(%arg0: i32) -> i32 {
    %c0_i32 = arith.constant 0 : i32
    %c0_i32_0 = arith.constant 0 : i32
    return %c0_i32 : i32
  }
  func.func @transform_4(%arg0: i32) -> i32 {
    %c0_i32 = arith.constant 0 : i32
    %c0_i32_0 = arith.constant 0 : i32
    return %c0_i32 : i32
  }
  func.func @transform_5(%arg0: i32) -> i32 {
    %c0_i32 = arith.constant 0 : i32
    %c0_i32_0 = arith.constant 0 : i32
    return %c0_i32 : i32
  }
  func.func @transform_6(%arg0: i32) -> i32 {
    %c0_i32 = arith.constant 0 : i32
    %c0_i32_0 = arith.constant 0 : i32
    return %c0_i32 : i32
  }
  func.func @transform_7(%arg0: i32) -> (i32, i32) {
    %c0_i32 = arith.constant 0 : i32
    %c0_i32_0 = arith.constant 0 : i32
    %c0_i32_1 = arith.constant 0 : i32
    return %c0_i32, %c0_i32_0 : i32, i32
  }
}

</mosaic_0001>

<sc_bundles>
// kernel: kernel.4.cloned.1.call-start
scs
__scs_entry_jumppad:
0x0: {  	(pc) =	sbr.rel $0x88, $3  }
0x1: {  	(tag) =	ssettag $0x0;
	lr =	simm.s32 $0x1  }
0x2: {  	[smem:$0x3F9E] =	sst lr;
	_ =	strace $0xD0000000  }
0x3: {  	_ = 	snop  }
0x4: {  	_ = 	snop  }
0x5: {  	_ = 	snop  }
0x6: {  	_ = 	snop  }
0x7: {  	_ = 	snop  }
__scs_overlays_trampoline_lowered:
0x8: {  	[smem:$0x3FAD] =	sst s0  }
0x9: {  	[smem:$0x3FAE] =	sst s1  }
0xa: {  	[smem:$0x3FAF] =	sst s2  }
0xb: {  	[smem:$0x3FB0] =	sst s3  }
0xc: {  	[smem:$0x3FB1] =	sst s4  }
0xd: {  	[smem:$0x3FB2] =	sst s5  }
0xe: {  	[smem:$0x3FB3] =	sst s6  }
0xf: {  	[smem:$0x3FB4] =	sst s7  }
0x10: {  	[smem:$0x3FB5] =	sst s8  }
0x11: {  	[smem:$0x3FB6] =	sst s9;
	s0 =	simm.s32 @!p0 $0x0  }
0x12: {  	s1 =	sld [smem:$0x3F9C];
	s0 =	simm.s32 @p0 $0x1  }
0x13: {  	[smem:$0x3FB7] =	sst s0;
	s0 =	simm.s32 @!p1 $0x0  }
0x14: {  	s2 =	sld [smem:$0x3F9B];
	s0 =	simm.s32 @p1 $0x1  }
0x15: {  	[smem:$0x3FB8] =	sst s0;
	s0 =	simm.s32 @!p2 $0x0  }
0x16: {  	s3 =	sld [smem:$0x3FDB];
	s0 =	simm.s32 @p2 $0x1  }
0x17: {  	s4 =	simm.s32 $0x1BF5;
	[smem:$0x3FBA] =	sst s0  }
0x18: {  	s0 =	sld [smem:$0x3F9D];
	_ =	swait.ge [sflag:s4], $0x0  }
0x19: {  	s7 =	sld [smem:$0x3F9E]  }
0x1a: {  	s8 =	sadd.s32 $0xFFFFE003, lr  }
0x1b: {  	s9 =	sadd.s32 $0xFFFFFEF7, lr;
	s5 =	simm.s32 $0xFFFFFFFF;
	p2 =	slt.u32 s8, $0xFFFFF086  }
0x1c: {  	p1 =	slt.u32 s9, $0xF7A;
	s5 =	simm.s32 @!p2 $0x0  }
0x1d: {  	s5 =	simm.s32 @p1 $0x1;
	p0 =	seq.s32 s7, s2  }
0x1e: {  	s7 =	smul.u32 @!p0 $0xF7A, s2;
	p2 =	seq.s32 @!p0 s5, $0x0  }
0x1f: {  	s9 =	smul.u32 $0xF7A, s1;
	s8 =	simm.s32 @!p0 $0x1BF5;
	p2 =	por !p2, p0  }
0x20: {  	[sflag:s8] =	ssyncset.s32 @!p0 $0xFFFFF086;
	s6 =	sadd.s32 @!p0 s3, s7;
	s7 =	simm.s32 @!p0 $0x108  }
0x21: {  	s3 =	sadd.s32 s3, s9;
	s6 =	sadd.s32 @!p0 $0x88, s6;
	s7 =	simm.s32 @p2 $0x1082  }
0x22: {  	[simem:s7], [sflag:s8] =	dma.local @!p0 [hbm:s6], $0xF7A  }
0x23: {  	s9 =	sor.u32 $0xD0000000, s2;
	s6 =	simm.s32 $0x108;
	_ =	swait.ge @!p0 [sflag:s8], $0x0  }
0x24: {  	s3 =	sadd.s32 $0x88, s3;
	s6 =	simm.s32 @!p1 $0x1082;
	[sflag:s4] =	ssyncset.s32 $0xFFFFF086  }
0x25: {  	[simem:s6], [sflag:s4] =	dma.local [hbm:s3], $0xF7A  }
0x26: {  	[smem:$0x3F9E] =	sst s1;
	(tag) =	ssettag s2;
	_ =	strace s9  }
0x27: {  	s1 =	sld [smem:$0x3FAE]  }
0x28: {  	s2 =	sld [smem:$0x3FAF]  }
0x29: {  	s4 =	sld [smem:$0x3FB1]  }
0x2a: {  	p0 =	seq.s32 s5, $0x0;
	s5 =	sld [smem:$0x3FB2]  }
0x2b: {  	s6 =	sld [smem:$0x3FB3]  }
0x2c: {  	s7 =	sld [smem:$0x3FB4]  }
0x2d: {  	s3 =	simm.s32 $0x108;
	s8 =	sld [smem:$0x3FB5]  }
0x2e: {  	s3 =	simm.s32 @!p0 $0x1082;
	s9 =	sld [smem:$0x3FB6]  }
0x2f: {  	lr =	sadd.s32 s0, s3;
	s0 =	sld [smem:$0x3FAD]  }
0x30: {  	s3 =	sld [smem:$0x3FB0]  }
0x31: {  	[smem:$0x3FB9] =	sst s10  }
0x32: {  	s10 =	sld [smem:$0x3FB7];
	_ =	sdelay $0x3  }
0x33: {  	p0 =	seq.s32 s10, $0x1;
	s10 =	sld [smem:$0x3FB9];
	_ =	sdelay $0x3  }
0x34: {  	[smem:$0x3FB9] =	sst s10  }
0x35: {  	s10 =	sld [smem:$0x3FB8];
	_ =	sdelay $0x3  }
0x36: {  	p1 =	seq.s32 s10, $0x1;
	s10 =	sld [smem:$0x3FB9];
	_ =	sdelay $0x3  }
0x37: {  	[smem:$0x3FB9] =	sst s10  }
0x38: {  	s10 =	sld [smem:$0x3FBA]  }
0x39: {  	_ = 	snop;
	(pc) =	sbr.ind lr, $3  }
0x3a: {  	_ = 	snop  }
0x3b: {  	_ = 	snop  }
0x3c: {  	p2 =	seq.s32 s10, $0x1;
	s10 =	sld [smem:$0x3FB9]  }
0x3d: {  	_ =	shalt  }
0x3e: {  	_ =	shalt  }
0x3f: {  	_ =	shalt  }
0x40: {  	_ =	shalt  }
0x41: {  	_ =	shalt  }
0x42: {  	_ =	shalt  }
0x43: {  	_ =	shalt  }
0x44: {  	_ =	shalt  }
0x45: {  	_ =	shalt  }
0x46: {  	_ =	shalt  }
0x47: {  	_ =	shalt  }
0x48: {  	_ =	shalt  }
0x49: {  	_ =	shalt  }
0x4a: {  	_ =	shalt  }
0x4b: {  	_ =	shalt  }
0x4c: {  	_ =	shalt  }
0x4d: {  	_ =	shalt  }
0x4e: {  	_ =	shalt  }
0x4f: {  	_ =	shalt  }
0x50: {  	_ =	shalt  }
0x51: {  	_ =	shalt  }
0x52: {  	_ =	shalt  }
0x53: {  	_ =	shalt  }
0x54: {  	_ =	shalt  }
0x55: {  	_ =	shalt  }
0x56: {  	_ =	shalt  }
0x57: {  	_ =	shalt  }
0x58: {  	_ =	shalt  }
0x59: {  	_ =	shalt  }
0x5a: {  	_ =	shalt  }
0x5b: {  	_ =	shalt  }
0x5c: {  	_ =	shalt  }
0x5d: {  	_ =	shalt  }
0x5e: {  	_ =	shalt  }
0x5f: {  	_ =	shalt  }
0x60: {  	_ =	shalt  }
0x61: {  	_ =	shalt  }
0x62: {  	_ =	shalt  }
0x63: {  	_ =	shalt  }
0x64: {  	_ =	shalt  }
0x65: {  	_ =	shalt  }
0x66: {  	_ =	shalt  }
0x67: {  	_ =	shalt  }
0x68: {  	_ =	shalt  }
0x69: {  	_ =	shalt  }
0x6a: {  	_ =	shalt  }
0x6b: {  	_ =	shalt  }
0x6c: {  	_ =	shalt  }
0x6d: {  	_ =	shalt  }
0x6e: {  	_ =	shalt  }
0x6f: {  	_ =	shalt  }
0x70: {  	_ =	shalt  }
0x71: {  	_ =	shalt  }
0x72: {  	_ =	shalt  }
0x73: {  	_ =	shalt  }
0x74: {  	_ =	shalt  }
0x75: {  	_ =	shalt  }
0x76: {  	_ =	shalt  }
0x77: {  	_ =	shalt  }
0x78: {  	_ =	shalt  }
0x79: {  	_ =	shalt  }
0x7a: {  	_ =	shalt  }
0x7b: {  	_ =	shalt  }
0x7c: {  	_ =	shalt  }
0x7d: {  	_ =	shalt  }
0x7e: {  	_ =	shalt  }
0x7f: {  	_ =	shalt  }
0x80: {  	_ =	shalt  }
0x81: {  	_ =	shalt  }
0x82: {  	_ =	shalt  }
0x83: {  	_ =	shalt  }
0x84: {  	_ =	shalt  }
0x85: {  	_ =	shalt  }
0x86: {  	_ =	shalt  }
0x87: {  	_ =	shalt  }
.Lfunc_end0:
.L_simem_size_0:
called_computation_lowered:
.L_overlay_start_0:
0x88: {  	s2 =	sld [smem:$0x3FD9]  }
0x89: {  	s3 =	sld [smem:$0x3FFE];
	_ =	sdelay $0x1  }
0x8a: {  	s1 =	srdreg.scid  }
0x8b: {  	s0 =	sand.u32 $0x1, s1  }
0x8c: {  	s17 =	sshll.u32 s0, $0xA;
	s2 =	sadd.s32 s3, s2  }
0x8d: {  	s2 =	sadd.s32 s2, s17  }
0x8e: {  	[smem:$0x3FC5] =	sst s2  }
0x8f: {  	_ = 	snop  }
0x90: {  	s2 =	sld [smem:$0x3FC8]  }
0x91: {  	s18 =	sld [smem:$0x3FD0];
	(tm) =	ssettm $0x1  }
0x92: {  	s4 =	sld [smem:$0x3FFB];
	_ =	sdelay $0x3  }
0x93: {  	_ =	strace s4  }
0x94: {  	s4 =	sld [smem:$0x3FFC];
	_ =	sdelay $0x3  }
0x95: {  	_ =	strace s4  }
0x96: {  	s4 =	sld [smem:$0x3FFD];
	_ =	sdelay $0x3  }
0x97: {  	_ =	strace s4  }
0x98: {  	_ =	strace $0x8FFFFFFF  }
0x99: {  	s19 =	sld [smem:$0x3FDB];
	_ =	sdelay $0x1  }
0x9a: {  	s5 =	simm.s32 $_scs_section_size  }
0x9b: {  	s6 =	simm.s32 $_size__tile_overlayer_lowered;
	s7 =	simm.s32 $_tile_overlayer_lowered  }
0x9c: {  	s22 =	simm.s32 $0x1BFF;
	s21 =	sshll.u32 s7, $0x1;
	s4 =	sadd.s32 s5, s19  }
0x9d: {  	s8 =	simm.s32 $0x0;
	s20 =	sshll.u32 s6, $0x1;
	s6 =	sadd.s32 s21, s4  }
0x9e: {  	[timem:s8], [sflag:s22] =	dma.local [hbm:s6], s20  }
0x9f: {  	_ =	swait.ge [sflag:s22], s20  }
0xa0: {  	s5 =	ssub.s32 $0x0, s20;
	[sflag:s22] =	ssyncset.done $0x0  }
0xa1: {  	[sflag:s22] =	ssyncadd.s32 s5;
	_ =	sdelay $0x1  }
0xa2: {  	s23 =	simm.s32 $0x1B8B  }
0xa3: {  	_ =	swait.ge [sflag:s23], $0x1  }
0xa4: {  	[sflag:s23] =	ssyncset.done $0x0  }
0xa5: {  	s25 =	simm.s32 $0x1B8E;
	s24 =	sld [smem:$0x3FFE];
	[sflag:s23] =	ssyncadd.s32 $0xFFFFFFFF  }
0xa6: {  	s26 =	simm.s32 $execute0_lowered;
	[smem:$0x3FD2] =	sst s25  }
0xa7: {  	s6 =	sshll.u32 s26, $0x1;
	_ =	strace $0x80000046;
	[dreg:$0x1] =	wrdreg $0xFFFFFFFF  }
0xa8: {  	s28 =	simm.s32 $_size_execute0_lowered;
	s4 =	sadd.s32 s4, s6;
	[dreg:$0x0] =	wrdreg $0x0  }
0xa9: {  	s6 =	sshll.u32 s28, $0x1;
	[dreg:$0x2] =	wrdreg s4  }
0xaa: {  	[dreg:$0x3] =	wrdreg s6  }
0xab: {  	[dreg:$0x4] =	wrdreg $0xC0  }
0xac: {  	_ =	task [dreg:s8], $0x5FFFF  }
0xad: {  	[dreg:$0x1] =	wrdreg $0xFFFFFFFF  }
0xae: {  	[dreg:$0x0] =	wrdreg $0x60  }
0xaf: {  	[dreg:$0x2] =	wrdreg s2  }
0xb0: {  	[dreg:$0x3] =	wrdreg s18  }
0xb1: {  	[dreg:$0x4] =	wrdreg s24  }
0xb2: {  	[dreg:$0x5] =	wrdreg $0x9  }
0xb3: {  	_ =	task.clear_ibuf [dreg:s8], $0x6FFFF;
	_ =	strace $0x90000046  }
0xb4: {  	s29 =	simm.s32 $0x9;
	_ =	strace $0x80000048  }
0xb5: {  	_ =	swait.ge [sflag:s29], $0x1  }
0xb6: {  	[sflag:s29] =	ssyncadd.s32 $0xFFFFFFFF  }
0xb7: {  	_ =	strace $0x90000048  }
0xb8: {  	_ =	sfence  }
0xb9: {  	s30 =	sld [smem:$0x0];
	_ =	sdelay $0x2  }
0xba: {  	s31 =	sshll.u32 s1, $0xD;
	s1 =	sshrl.u32 s1, $0x2  }
0xbb: {  	s3 =	sand.u32 $0x4000, s31;
	s1 =	sadd.s32 s1, s30  }
0xbc: {  	s0 =	sor.u32 s3, s0;
	s1 =	sshll.u32 s1, $0x11  }
0xbd: {  	s0 =	sor.u32 s1, s0  }
0xbe: {  	s0 =	sadd.s32 $0x8F2B, s0  }
0xbf: {  	[sflag:s0] =	ssyncadd.remote.s32 $0x1  }
0xc0: {  	_ =	sfence.sel $0xFFFF  }
0xc1: {  	[dreg:$0x0] =	wrdreg $0xFFFFFFFF;
	(pc) =	sbr.abs _section_cstart, $3  }
0xc2: {  	[dreg:$0x1] =	wrdreg $0xFFFFFFFF  }
0xc3: {  	_ =	task.clear_ibuf [dreg:s8], $0x2FFFF;
	_ =	strace $0x9FFFFFFF  }
0xc4: {  	(tm) =	ssettm $0x7FFFFFFF  }
0xc5: {  	_ =	shalt  }
tec
execute0_lowered:
.L_overlay_start_1:
0x0: {  	(tag) =	ssettag $0x1  }
0x1: {  	s5 =	rddreg [dreg:$0x0]  }
0x2: {  	s1 =	rddreg [dreg:$0x1]  }
0x3: {  	s6 =	rddreg [dreg:$0x2]  }
0x4: {  	s0 =	rddreg [dreg:$0x3];
	s3 =	simm.s32 $0x0  }
0x5: {  	s4 =	srdreg.scid;
	s2 =	stileid.u32;
	s12 =	simm.s32 $0x1  }
0x6: {  	s13 =	simm.s32 $0x80;
	s14 =	simm.s32 $0x100;
	s15 =	simm.s32 $0x180  }
0x7: {  	s16 =	simm.s32 $0x200;
	s17 =	simm.s32 $0x280;
	s18 =	simm.s32 $0x300  }
0x8: {  	s19 =	simm.s32 $0x380;
	[smem:$0x7FF] =	sst s3;
	s7 =	sand.u32 $0x1, s4  }
0x9: {  	s29 =	sshll.u32 s2, $0x6;
	s9 =	sshrl.u32 s2, $0x1;
	_ =	strace $0x80000047  }
0xa: {  	s8 =	sshll.u32 s7, $0x5;
	s4 =	sand.u32 $0x40, s29;
	s10 =	sshll.u32 s9, $0x8  }
0xb: {  	s9 =	sshll.u32 s9, $0x9;
	s7 =	ssub.s32 $0x2, s7;
	s8 =	sor.u32 s8, s4  }
0xc: {  	s31 =	sshrl.u32 s7, $0x1;
	s10 =	sor.u32 s10, s8;
	s8 =	sor.u32 s9, s8  }
0xd: {  	s4 =	sadd.s32 $0xC00, s6;
	s11 =	ssub.s32 s7, s31;
	s8 =	sshrl.u32 s8, $0x3  }
0xe: {  	s30 =	sshrl.u32 s10, $0x3;
	s11 =	smax.u32 s11, $0x1;
	s5 =	sadd.s32 s5, s8  }
0xf: {  	vm0 =	vmmov $0x1;
	vm1 =	vcmask $0x308;
	vm2 =	vcmask $0x70C;
	s10 =	sadd.s32 s30, s6;
	s6 =	sadd.s32 $0x10, s5;
	s7 =	sadd.s32 $0x20, s5  }
0x10: {  	vm3 =	vcmask $0xB10;
	vm4 =	vcmask $0xF14;
	v0 =	vimm.s32 $0x0;
	s8 =	sadd.s32 $0x30, s5;
	s9 =	sadd.s32 $0xE00, s10;
	s10 =	sadd.s32 $0xE10, s10  }
.LBB2_1:
0x11: {  	[tilespmem:s3], [sflag:$0x1] =	stream.linear.gather [hbm4b:s5+s3], $0x20, $0x38;
	[tilespmem:$0x400] =	vst v63  }
0x12: {  	_ =	swait.ge [sflag:s12], $0x20  }
0x13: {  	[sflag:s12] =	ssyncset.done $0x0  }
0x14: {  	[sflag:s12] =	ssyncadd.s32 $0xFFFFFFE0  }
0x15: {  	[tilespmem:s13], [sflag:$0x1] =	stream.linear.gather [hbm4b:s6+s3], $0x20, $0x38;
	[tilespmem:$0x400] =	vst v63  }
0x16: {  	_ =	swait.ge [sflag:s12], $0x20  }
0x17: {  	[sflag:s12] =	ssyncset.done $0x0  }
0x18: {  	[sflag:s12] =	ssyncadd.s32 $0xFFFFFFE0  }
0x19: {  	[tilespmem:s14], [sflag:$0x1] =	stream.linear.gather [hbm4b:s7+s3], $0x20, $0x38;
	[tilespmem:$0x400] =	vst v63  }
0x1a: {  	_ =	swait.ge [sflag:s12], $0x20  }
0x1b: {  	[sflag:s12] =	ssyncset.done $0x0  }
0x1c: {  	[sflag:s12] =	ssyncadd.s32 $0xFFFFFFE0  }
0x1d: {  	[tilespmem:s15], [sflag:$0x1] =	stream.linear.gather [hbm4b:s8+s3], $0x20, $0x38;
	[tilespmem:$0x400] =	vst v63  }
0x1e: {  	_ =	swait.ge [sflag:s12], $0x20  }
0x1f: {  	[sflag:s12] =	ssyncset.done $0x0  }
0x20: {  	[sflag:s12] =	ssyncadd.s32 $0xFFFFFFE0  }
0x21: {  	[tilespmem:s16], [sflag:$0x1] =	stream.linear.gather [hbm4b:s1+s3], $0x80, $0x38;
	[tilespmem:$0x400] =	vst v63  }
0x22: {  	_ =	swait.ge [sflag:s12], $0x80  }
0x23: {  	[sflag:s12] =	ssyncset.done $0x0  }
0x24: {  	[sflag:s12] =	ssyncadd.s32 $0xFFFFFF80  }
0x25: {  	[tilespmem:s17], [sflag:$0x1] =	stream.linear.gather [hbm4b:s4+s3], $0x80, $0x38;
	[tilespmem:$0x400] =	vst v63  }
0x26: {  	_ =	swait.ge [sflag:s12], $0x80  }
0x27: {  	[sflag:s12] =	ssyncset.done $0x0  }
0x28: {  	[sflag:s12] =	ssyncadd.s32 $0xFFFFFF80  }
0x29: {  	v1 =	vld [tilespmem:$0x200]  }
0x2a: {  	v2 =	vld [tilespmem:$0x280];
	_ =	sdelay $0x3  }
0x2b: {  	v3 =	vnsel vm0, $0x0, v1  }
0x2c: {  	(xrf2) =	vadd.scan.msk.f32 $0xffff, v3;
	v3 =	vnsel vm0, $0x0, v2  }
0x2d: {  	(xrf2) =	vadd.scan.msk.f32 $0xffff, v3  }
0x2e: {  	v4 =	vld [tilespmem:$0x80];
	v3 =	vsel vm1, $0x0, v1  }
0x2f: {  	v31 =	vld [tilespmem:$0x10];
	(xrf2) =	vadd.scan.msk.f32 $0xffff, v3  }
0x30: {  	v36 =	vld [tilespmem:$0x90];
	v3 =	vsel vm1, $0x0, v2  }
0x31: {  	v5 =	vsel vm2, $0x0, v1;
	(xrf2) =	vadd.scan.msk.f32 $0xffff, v3;
	v3 =	vld [tilespmem:$0x0]  }
0x32: {  	v19 =	vsel vm2, $0x0, v2;
	(xrf2) =	vadd.scan.msk.f32 $0xffff, v5  }
0x33: {  	(xrf2) =	vadd.scan.msk.f32 $0xffff, v19;
	_ =	sdelay $0x1  }
0x34: {  	v20 =	vld [tilespmem:$0x100];
	v6 =	vsel vm3, $0x0, v1;
	v4 =	vmul.f32 $2.600000000e+01, v4;
	v43 =	vmul.f32 $2.600000000e+01, v36  }
0x35: {  	v7 =	vld [tilespmem:$0x180];
	v21 =	vsel vm3, $0x0, v2;
	v41 =	vmul.f32 $2.600000000e+01, v31;
	v3 =	vmul.f32 $2.600000000e+01, v3;
	v8, _, _ =	vpop (xrf2);
	(xrf2) =	vadd.scan.msk.f32 $0xffff, v6  }
0x36: {  	v4 =	vtrunc.f32 v4;
	v47 =	vtrunc.f32 v43;
	v9, _, _ =	vpop (xrf2);
	(xrf2) =	vadd.scan.msk.f32 $0xffff, v21  }
0x37: {  	v3 =	vtrunc.f32 v3;
	v8 =	vbroadcast v8, $0xF  }
0x38: {  	v1 =	vsel vm4, $0x0, v1;
	v3 =	vcvt.f32.s32 v3;
	v22, _, _ =	vpop (xrf2);
	v9 =	vbroadcast v9, $0xF  }
0x39: {  	(xrf2) =	vadd.scan.msk.f32 $0xffff, v1;
	v1 =	vsel vm4, $0x0, v2;
	v2 =	vld [tilespmem:$0x200];
	v6 =	vbroadcast v22, $0xF;
	v8 =	vsub.f32 v20, v8  }
0x3a: {  	v4 =	vcvt.f32.s32 v4;
	v10, _, _ =	vpop (xrf2);
	(xrf2) =	vadd.scan.msk.f32 $0xffff, v1;
	v1 =	vld [tilespmem:$0x280];
	v3 =	vmul.u32 $0x1A, v3;
	v9 =	vsub.f32 v7, v9  }
0x3b: {  	v10 =	vbroadcast v10, $0xF;
	v11, _, _ =	vpop (xrf2);
	v6 =	vsub.f32 v20, v6;
	v8 =	vmul.f32 v8, v8  }
0x3c: {  	v12, _, _ =	vpop (xrf2);
	v11 =	vbroadcast v11, $0xF;
	v3 =	vadd.s32 v4, v3;
	v9 =	vmul.f32 v9, v9  }
0x3d: {  	v10 =	vsub.f32 v7, v10;
	v12 =	vbroadcast v12, $0xF;
	v6 =	vmul.f32 v6, v6  }
0x3e: {  	v24 =	vnsel vm0, $0x0, v2;
	v11 =	vsub.f32 v20, v11;
	v26 =	vsel vm1, $0x0, v2  }
0x3f: {  	v28 =	vsel vm2, $0x0, v2;
	v37 =	vsel vm3, $0x0, v2;
	v25 =	vnsel vm0, $0x0, v1;
	v23, _, _ =	vpop (xrf2);
	(xrf2) =	vadd.scan.msk.f32 $0xffff, v24  }
0x40: {  	v2 =	vsel vm4, $0x0, v2;
	v10 =	vmul.f32 v10, v10;
	v12 =	vsub.f32 v7, v12;
	v13, _, _ =	vpop (xrf2);
	(xrf2) =	vadd.scan.msk.f32 $0xffff, v25  }
0x41: {  	v8 =	vadd.f32 v9, v8;
	v27 =	vsel vm1, $0x0, v1;
	v14 =	vsel vm2, $0x0, v1  }
0x42: {  	v39 =	vsel vm3, $0x0, v1;
	v11 =	vmul.f32 v11, v11;
	v12 =	vmul.f32 v12, v12;
	(xrf2) =	vadd.scan.msk.f32 $0xffff, v26  }
0x43: {  	v1 =	vsel vm4, $0x0, v1;
	v9 =	vbroadcast v23, $0xF;
	v13 =	vbroadcast v13, $0xF;
	(xrf2) =	vadd.scan.msk.f32 $0xffff, v27  }
0x44: {  	v6 =	vadd.f32 v10, v6;
	v29 =	vadd.f32 v12, v11;
	v30, _, _ =	vpop (xrf2);
	v11 =	vtrunc.f32 v41;
	(xrf2) =	vadd.scan.msk.f32 $0xffff, v28  }
0x45: {  	v9 =	vsub.f32 v20, v9;
	v33, _, _ =	vpop (xrf2);
	v34 =	vbroadcast v30, $0xF;
	v13 =	vsub.f32 v7, v13;
	(xrf2) =	vadd.scan.msk.f32 $0xffff, v14  }
0x46: {  	vm5 =	vgt.f32 v6, v8;
	v46 =	vcvt.f32.s32 v11;
	v35 =	vbroadcast v33, $0xF;
	(xrf2) =	vadd.scan.msk.f32 $0xffff, v37  }
0x47: {  	v6 =	vsel vm5, v6, v8;
	v9 =	vmul.f32 v9, v9;
	v32 =	vmul.f32 v13, v13;
	(xrf2) =	vadd.scan.msk.f32 $0xffff, v39  }
0x48: {  	v38 =	vld [tilespmem:$0x110];
	v11 =	vcvt.f32.s32 v47;
	v5 =	vsub.f32 v20, v34;
	v7 =	vsub.f32 v7, v35  }
0x49: {  	v40 =	vld [tilespmem:$0x190];
	v60 =	vsel vm5, $0x3F800000, v0;
	vm6 =	vgt.f32 v29, v6;
	v9 =	vadd.f32 v32, v9;
	v42, _, _ =	vpop (xrf2);
	(xrf2) =	vadd.scan.msk.f32 $0xffff, v2  }
0x4a: {  	v4 =	vsel vm6, v29, v6;
	v5 =	vmul.f32 v5, v5;
	v7 =	vmul.f32 v7, v7;
	v2, _, _ =	vpop (xrf2);
	(xrf2) =	vadd.scan.msk.f32 $0xffff, v1  }
0x4b: {  	v61 =	vsel vm6, $0x40000000, v60;
	vm7 =	vgt.f32 v9, v4;
	v44 =	vbroadcast v42, $0xF  }
0x4c: {  	v5 =	vadd.f32 v7, v5;
	v7 =	vmul.u32 $0x1A, v46;
	v2 =	vbroadcast v2, $0xF;
	v45, _, _ =	vpop (xrf2)  }
0x4d: {  	v4 =	vsel vm7, v9, v4;
	v1, _, _ =	vpop (xrf2);
	v9 =	vsub.f32 v38, v44;
	v10 =	vbroadcast v45, $0xF  }
0x4e: {  	vm8 =	vgt.f32 v5, v4;
	v48, _, _ =	vpop (xrf2);
	v2 =	vsub.f32 v40, v2;
	v1 =	vbroadcast v1, $0xF  }
0x4f: {  	v49 =	vbroadcast v48, $0xF;
	v50, _, _ =	vpop (xrf2);
	v9 =	vmul.f32 v9, v9;
	v10 =	vsub.f32 v38, v10  }
0x50: {  	v7 =	vadd.s32 v11, v7;
	v2 =	vmul.f32 v2, v2;
	v5 =	vbroadcast v50, $0xF;
	v51, _, _ =	vpop (xrf2)  }
0x51: {  	v1 =	vsub.f32 v40, v1;
	v4 =	vsub.f32 v38, v49;
	v52 =	vmul.f32 v10, v10;
	v53, _, _ =	vpop (xrf2)  }
0x52: {  	v12 =	vbroadcast v51, $0xF;
	v5 =	vsub.f32 v40, v5;
	v10 =	vbroadcast v53, $0xF  }
0x53: {  	v2 =	vadd.f32 v2, v9;
	v1 =	vmul.f32 v1, v1;
	v4 =	vmul.f32 v4, v4;
	v54, _, _ =	vpop (xrf2)  }
0x54: {  	v56 =	vsub.f32 v38, v12;
	v5 =	vmul.f32 v5, v5;
	v10 =	vsub.f32 v40, v10;
	v57, _, _ =	vpop (xrf2)  }
0x55: {  	v1 =	vadd.f32 v1, v52;
	v55 =	vbroadcast v54, $0xF;
	v59 =	vbroadcast v57, $0xF  }
0x56: {  	v11 =	vmul.f32 v56, v56;
	v4 =	vadd.f32 v5, v4;
	v10 =	vmul.f32 v10, v10  }
0x57: {  	vm5 =	vgt.f32 v1, v2;
	v58 =	vsub.f32 v38, v55;
	v6 =	vsub.f32 v40, v59  }
0x58: {  	v8 =	vsel vm7, $0x40400000, v61;
	v1 =	vsel vm5, v1, v2;
	v2 =	vadd.f32 v10, v11  }
0x59: {  	vm6 =	vgt.f32 v4, v1;
	v5 =	vmul.f32 v58, v58;
	v6 =	vmul.f32 v6, v6  }
0x5a: {  	v3 =	vcvt.s32.f32 v3;
	v8 =	vsel vm8, $0x40800000, v8;
	v1 =	vsel vm6, v4, v1  }
0x5b: {  	v63 =	vsel vm5, $0x3F800000, v0;
	vm7 =	vgt.f32 v2, v1;
	v62 =	vadd.f32 v6, v5  }
0x5c: {  	[tilespmem:$0x300] =	vst v3;
	v3 =	vsel vm6, $0x40000000, v63;
	v1 =	vsel vm7, v2, v1;
	v2 =	vcvt.s32.f32 v7  }
0x5d: {  	[tilespmem:$0x380] =	vst v8;
	vm5 =	vgt.f32 v62, v1;
	v1 =	vsel vm7, $0x40400000, v3  }
0x5e: {  	[tilespmem:$0x310] =	vst v2;
	v1 =	vsel vm5, $0x40800000, v1  }
0x5f: {  	[tilespmem:$0x390] =	vst v1  }
0x60: {  	[hbm4b:s9+s3] =	stream.linear.scatter [tilespmem:s18], [sflag:$0x1], $0x20, $0x38;
	[tilespmem:$0x400] =	vst v63  }
0x61: {  	_ =	swait.ge [sflag:s12], $0x20  }
0x62: {  	p0 =	sne.s32 s11, $0x1;
	[sflag:s12] =	ssyncset.done $0x0  }
.Ltmp0:
0x63: {  	[sflag:s12] =	ssyncadd.s32 $0xFFFFFFE0;
	(pc) =	sbr.rel @p0 .LBB2_1-.Ltmp0, $4  }
0x64: {  	[hbm4b:s10+s3] =	stream.linear.scatter [tilespmem:s19], [sflag:$0x1], $0x20, $0x38;
	[tilespmem:$0x400] =	vst v63  }
0x65: {  	_ =	swait.ge [sflag:s12], $0x20  }
0x66: {  	[sflag:s12] =	ssyncset.done $0x0  }
0x67: {  	s11 =	sadd.s32 $0xFFFFFFFF, s11;
	[sflag:s12] =	ssyncadd.s32 $0xFFFFFFE0  }
0x68: {  	_ =	sfence.sel $0x180000  }
0x69: {  	[bflag:$0x0] =	sbarrier.arrive $0xFFFF  }
0x6a: {  	p0 =	sne.s32 s2, $0x0;
	_ =	strace $0x90000047  }
0x6b: {  	s0 =	sadd.s32 @!p0 $0x100000, s0;
	[bflag:$0x2] =	sbarrier.arrive $0xFFFF  }
0x6c: {  	[sflag:s0] =	ssyncadd.tile.s32 @!p0 $0x1;
	_ =	shalt  }
.Lfunc_end2:
_tile_overlayer_lowered:
.L_overlay_start_2:
0x6d: {  	(tag) =	ssettag $0x2  }
0x6e: {  	s0 =	rddreg [dreg:$0x0];
	s2 =	stileid.u32  }
0x6f: {  	s1 =	rddreg [dreg:$0x1];
	p0 =	sne.s32 s2, $0x0  }
0x70: {  	s3 =	rddreg [dreg:$0x2];
	[bflag:$0x3] =	sbarrier.arrive $0xFFFF;
	s2 =	simm.s32 @!p0 $0x1C01  }
0x71: {  	[timem:s3], [sflag:s2] =	dma.local @!p0 [hbm:s0], s1  }
0x72: {  	s0 =	simm.s32 @!p0 $0x1  }
0x73: {  	_ =	swait.ge @!p0 [sflag:s0], s1  }
0x74: {  	s1 =	ssub.s32 @!p0 $0x0, s1;
	[sflag:s0] =	ssyncset.done @!p0 $0x0  }
0x75: {  	[sflag:s0] =	ssyncadd.s32 @!p0 s1  }
0x76: {  	[bflag:$0x3] =	sbarrier.arrive $0xFFFF  }
0x77: {  	_ =	shalt  }

</sc_bundles>
